<compile_context>
chip_gen: v7x
topology: tpu7x:2x2x1
jax: 0.10.2.dev20260603
libtpu: 0.0.44.dev20260713+nightly
codegen_flags: <defaults>
</compile_context>

<pallas_src>
import functools

import jax
import jax.numpy as jnp
from jax import lax
from jax.experimental import pallas as pl
from jax.experimental.pallas import tpu as pltpu
from jax.experimental.pallas import tpu_sc as plsc

D_MODEL = 768
N_EXPERTS = 64
D_FF = 1024
N_DOMAINS = 32
S = 2048
CAP = 64
N_SLOTS = N_EXPERTS * CAP
BLK = 128
DUMP = N_SLOTS
N_SLOTS_PAD = N_SLOTS + 16
EPG = 2
N_SLOTS_OUT = N_SLOTS + EPG * CAP


def _routing_body(dm_ref, x_ref, st_ref, ws_ref, de_ref, wr_ref, wc_ref,
                  slot_ref, gate_ref, xsum_ref):
    x = x_ref[...]
    ctx = jnp.dot(st_ref[...], ws_ref[...], preferred_element_type=jnp.float32)
    dm = dm_ref[0]
    dm_oh = (lax.broadcasted_iota(jnp.int32, (1, N_DOMAINS), 1) == dm
             ).astype(jnp.float32)
    ctx = ctx + jnp.dot(dm_oh, de_ref[...], preferred_element_type=jnp.float32)
    cb = jnp.dot(ctx, wc_ref[...], preferred_element_type=jnp.float32)
    logits = jnp.dot(x, wr_ref[...], preferred_element_type=jnp.float32) + cb
    m = jnp.max(logits, axis=1, keepdims=True)
    denom = jnp.sum(jnp.exp(logits - m), axis=1, keepdims=True)
    gate_ref[...] = 1.0 / denom
    iota_e = lax.broadcasted_iota(jnp.int32, (S, N_EXPERTS), 1)
    eidx = jnp.min(jnp.where(logits >= m, iota_e, N_EXPERTS), axis=1,
                   keepdims=True)
    onehot = (iota_e == eidx).astype(jnp.float32)
    tri = (lax.broadcasted_iota(jnp.int32, (BLK, BLK), 1)
           <= lax.broadcasted_iota(jnp.int32, (BLK, BLK), 0)).astype(jnp.float32)
    prefix = jnp.zeros((1, N_EXPERTS), jnp.float32)
    for b in range(S // BLK):
        blk = onehot[b * BLK:(b + 1) * BLK, :]
        within = jnp.dot(tri, blk, preferred_element_type=jnp.float32)
        posb = within + prefix - 1.0
        prefix = prefix + jnp.sum(blk, axis=0, keepdims=True)
        pos_t = jnp.sum(posb * blk, axis=1, keepdims=True)
        keep = pos_t < CAP
        eb = eidx[b * BLK:(b + 1) * BLK, :]
        tok = lax.broadcasted_iota(jnp.int32, (BLK, 1), 0)
        slot_ref[b * BLK:(b + 1) * BLK, :] = jnp.where(
            keep, eb * CAP + pos_t.astype(jnp.int32), DUMP + (tok & 15))
    xsum_ref[...] = jnp.sum(x, axis=0, keepdims=True)


def _routing(x2d, stats, dm, W_stat, domain_emb, W_router, W_ctx):
    return pl.pallas_call(
        _routing_body,
        in_specs=[
            pl.BlockSpec(memory_space=pltpu.SMEM),
            pl.BlockSpec(memory_space=pltpu.VMEM),
            pl.BlockSpec(memory_space=pltpu.VMEM),
            pl.BlockSpec(memory_space=pltpu.VMEM),
            pl.BlockSpec(memory_space=pltpu.VMEM),
            pl.BlockSpec(memory_space=pltpu.VMEM),
            pl.BlockSpec(memory_space=pltpu.VMEM),
        ],
        out_specs=[
            pl.BlockSpec(memory_space=pltpu.VMEM),
            pl.BlockSpec(memory_space=pltpu.VMEM),
            pl.BlockSpec(memory_space=pltpu.VMEM),
        ],
        out_shape=[
            jax.ShapeDtypeStruct((S, 1), jnp.int32),
            jax.ShapeDtypeStruct((S, 1), jnp.float32),
            jax.ShapeDtypeStruct((1, D_MODEL), jnp.float32),
        ],
    )(dm, x2d, stats, W_stat, domain_emb, W_router, W_ctx)


def _make_dispatch():
    info = plsc.get_sparse_core_info()
    nc, ns = info.num_cores, info.num_subcores
    nw = nc * ns
    rpw = N_SLOTS // nw
    tpw = S // nw
    mesh = plsc.VectorSubcoreMesh(core_axis_name="c", subcore_axis_name="s")

    @functools.partial(
        pl.kernel, mesh=mesh,
        compiler_params=pltpu.CompilerParams(needs_layout_passes=False),
        out_type=[
            jax.ShapeDtypeStruct((N_SLOTS_OUT, D_MODEL), jnp.float32),
            jax.ShapeDtypeStruct((N_SLOTS,), jnp.float32),
        ],
        scratch_types=[
            pltpu.VMEM((S,), jnp.int32),
            pltpu.VMEM((S,), jnp.float32),
            pltpu.VMEM((N_SLOTS_PAD,), jnp.float32),
            pltpu.VMEM((tpw,), jnp.int32),
            pltpu.VMEM((tpw, D_MODEL), jnp.float32),
            pltpu.SemaphoreType.DMA,
        ],
    )
    def dispatch(x_hbm, slot_hbm, gate_hbm, xe_hbm, w_hbm,
                 slot_v, gate_v, w_v, idx_v, rows_v, sem):
        wid = lax.axis_index("s") * nc + lax.axis_index("c")
        tbase = wid * tpw
        row_cp = pltpu.async_copy(x_hbm.at[pl.ds(tbase, tpw)], rows_v, sem)
        pltpu.sync_copy(slot_hbm, slot_v)
        pltpu.sync_copy(gate_hbm, gate_v)
        zf = jnp.zeros((16,), jnp.float32)
        base = wid * rpw

        def init_body(i, _):
            w_v[pl.ds(base + i * 16, 16)] = zf
            return 0
        lax.fori_loop(0, rpw // 16, init_body, 0)

        def scat_body(i, _):
            for j in range(4):
                sv = slot_v[pl.ds(i * 64 + j * 16, 16)]
                gv = gate_v[pl.ds(i * 64 + j * 16, 16)]
                plsc.store_scatter(w_v, [sv], gv)
            return 0
        lax.fori_loop(0, S // 64, scat_body, 0)

        pltpu.sync_copy(w_v.at[pl.ds(base, rpw)], w_hbm.at[pl.ds(base, rpw)])
        for j in range(tpw // 16):
            idx_v[pl.ds(j * 16, 16)] = slot_v[pl.ds(tbase + j * 16, 16)]
        row_cp.wait()
        pltpu.async_copy(rows_v, xe_hbm.at[idx_v], sem).wait()

    return dispatch


def _ffn_body(xe_ref, w1_ref, b1_ref, w2_ref, b2_ref, wrow_ref, wcol_ref,
              xsum_ref, wcls_ref, bcls_ref, out_ref, acc_ref):
    e = pl.program_id(0)

    @pl.when(e == 0)
    def _():
        acc_ref[...] = jnp.zeros_like(acc_ref)

    acc = acc_ref[...]
    for k in range(EPG):
        ei = e * EPG + k
        wcol = wcol_ref[pl.ds(ei, 1)][0]
        xe = jnp.where(wcol > 0.0, xe_ref[k], 0.0)
        h = jnp.maximum(
            jnp.dot(xe, w1_ref[k], preferred_element_type=jnp.float32)
            + b1_ref[pl.ds(ei, 1)][0], 0.0)
        wrow = wrow_ref[pl.ds(ei, 1)][0]
        u = jnp.dot(wrow, h, preferred_element_type=jnp.float32)
        y = jnp.dot(u, w2_ref[k], preferred_element_type=jnp.float32)
        wsum = jnp.sum(wrow, axis=1, keepdims=True)
        acc = acc + y + wsum * b2_ref[pl.ds(ei, 1)][0]
    acc_ref[...] = acc

    @pl.when(e == N_EXPERTS // EPG - 1)
    def _():
        pooled = (acc + xsum_ref[...]) * (1.0 / S)
        out_ref[...] = (jnp.dot(pooled, wcls_ref[...],
                                preferred_element_type=jnp.float32)
                        + bcls_ref[...])


def _ffn(xe3, W1, b1r, W2, b2r, w3, wc3, xsum, W_cls, bclsr):
    return pl.pallas_call(
        _ffn_body,
        grid=(N_EXPERTS // EPG,),
        in_specs=[
            pl.BlockSpec((EPG, CAP, D_MODEL), lambda e: (e, 0, 0)),
            pl.BlockSpec((EPG, D_MODEL, D_FF), lambda e: (e, 0, 0)),
            pl.BlockSpec((N_EXPERTS, 1, D_FF), lambda e: (0, 0, 0)),
            pl.BlockSpec((EPG, D_FF, D_MODEL), lambda e: (e, 0, 0)),
            pl.BlockSpec((N_EXPERTS, 1, D_MODEL), lambda e: (0, 0, 0)),
            pl.BlockSpec((N_EXPERTS, 1, CAP), lambda e: (0, 0, 0)),
            pl.BlockSpec((N_EXPERTS, CAP, 1), lambda e: (0, 0, 0)),
            pl.BlockSpec((1, D_MODEL), lambda e: (0, 0)),
            pl.BlockSpec((D_MODEL, 2), lambda e: (0, 0)),
            pl.BlockSpec((1, 2), lambda e: (0, 0)),
        ],
        out_specs=pl.BlockSpec((1, 2), lambda e: (0, 0)),
        out_shape=jax.ShapeDtypeStruct((1, 2), jnp.float32),
        scratch_shapes=[pltpu.VMEM((1, D_MODEL), jnp.float32)],
    )(xe3, W1, b1r, W2, b2r, w3, wc3, xsum, W_cls, bclsr)


def kernel(study_context_tokens, statistical_features, domain_metadata,
           W_stat, domain_emb, W_router, W_ctx, W1, b1, W2, b2, W_cls, b_cls):
    x2d = study_context_tokens.reshape(S, D_MODEL)
    dm = domain_metadata.astype(jnp.int32).reshape(1)
    slot, gate, xsum = _routing(x2d, statistical_features, dm,
                                W_stat, domain_emb, W_router, W_ctx)
    xe, w = _make_dispatch()(x2d, slot.reshape(S), gate.reshape(S))
    out = _ffn(xe.reshape(N_SLOTS_OUT // CAP, CAP, D_MODEL),
               W1, b1.reshape(N_EXPERTS, 1, D_FF),
               W2, b2.reshape(N_EXPERTS, 1, D_MODEL),
               w.reshape(N_EXPERTS, 1, CAP),
               w.reshape(N_EXPERTS, CAP, 1),
               xsum, W_cls, b_cls.reshape(1, 2))
    return out

# --- scband reference (transcript-rebuilt; emitter-appended) ---
"""Pipeline reference for scband-lacunamixture-of-experts-52106543235520 (READ-ONLY COPY).

The authoritative reference and input builder live on the scoring server;
editing this copy changes nothing except your own understanding.
"""

import jax, jax.numpy as jnp
import numpy as np

D_MODEL = 768
N_EXPERTS = 64
TOP_K = 1
D_FF = 1024
N_DOMAINS = 32
D_STAT = 64
N_CLASSES = 2
B = 1
S = 2048
CAPACITY = int(2.0 * (B * S) / N_EXPERTS)  # capacity_factor=2.0 -> 64


def setup_inputs(seed: int = 0) -> dict:
    key = jax.random.key(seed)
    ks = jax.random.split(key, 12)
    inp = {}
    inp["study_context_tokens"] = jax.random.normal(ks[0], (B, S, D_MODEL), dtype=jnp.float32)
    inp["statistical_features"] = jax.random.normal(ks[1], (B, D_STAT), dtype=jnp.float32)
    inp["domain_metadata"] = jax.random.randint(ks[2], (B,), 0, N_DOMAINS)
    # learned parameters
    inp["W_stat"] = jax.random.normal(ks[3], (D_STAT, D_MODEL), dtype=jnp.float32) * 0.05
    inp["domain_emb"] = jax.random.normal(ks[4], (N_DOMAINS, D_MODEL), dtype=jnp.float32) * 0.02
    inp["W_router"] = jax.random.normal(ks[5], (D_MODEL, N_EXPERTS), dtype=jnp.float32) * 0.02
    inp["W_ctx"] = jax.random.normal(ks[6], (D_MODEL, N_EXPERTS), dtype=jnp.float32) * 0.02
    inp["W1"] = jax.random.normal(ks[7], (N_EXPERTS, D_MODEL, D_FF), dtype=jnp.float32) * 0.02
    inp["b1"] = jnp.zeros((N_EXPERTS, D_FF), dtype=jnp.float32)
    inp["W2"] = jax.random.normal(ks[8], (N_EXPERTS, D_FF, D_MODEL), dtype=jnp.float32) * 0.02
    inp["b2"] = jnp.zeros((N_EXPERTS, D_MODEL), dtype=jnp.float32)
    inp["W_cls"] = jax.random.normal(ks[9], (D_MODEL, N_CLASSES), dtype=jnp.float32) * 0.05
    inp["b_cls"] = jnp.zeros((N_CLASSES,), dtype=jnp.float32)
    return inp


def reference(study_context_tokens, statistical_features, domain_metadata,
              W_stat, domain_emb, W_router, W_ctx, W1, b1, W2, b2, W_cls, b_cls):
    b, s, d = study_context_tokens.shape
    e = W_router.shape[1]
    c = CAPACITY
    t = b * s
    x = study_context_tokens.reshape(t, d)

    # domain/statistics-conditioned routing context
    ctx = statistical_features @ W_stat + jnp.take(domain_emb, domain_metadata, axis=0)  # [B, D]
    ctx_bias = ctx @ W_ctx  # [B, E]

    # per-token router logits with broadcast context bias
    logits = study_context_tokens @ W_router + ctx_bias[:, None, :]  # [B, S, E]
    logits = logits.reshape(t, e)
    gates = jax.nn.softmax(logits, axis=-1)

    # top-1 routing
    expert_idx = jnp.argmax(gates, axis=-1)           # [T] int
    gate_val = jnp.max(gates, axis=-1)                # [T]
    onehot = jax.nn.one_hot(expert_idx, e, dtype=x.dtype)  # [T, E]

    # position within expert buffer; drop overflow beyond capacity
    pos = jnp.cumsum(onehot, axis=0) - 1.0            # [T, E]
    pos_t = jnp.sum(pos * onehot, axis=1)             # [T]
    keep = (pos_t < c).astype(x.dtype)                # [T]
    pos_i = jnp.clip(pos_t.astype(jnp.int32), 0, c - 1)
    pos_oh = jax.nn.one_hot(pos_i, c, dtype=x.dtype)  # [T, C]

    dispatch = onehot[:, :, None] * pos_oh[:, None, :] * keep[:, None, None]  # [T, E, C]
    combine = dispatch * gate_val[:, None, None]                              # [T, E, C]

    # dispatch tokens to expert buffers (scatter via einsum)
    xe = jnp.einsum('tec,td->ecd', dispatch, x)        # [E, C, D]
    h = jax.nn.relu(jnp.einsum('ecd,edf->ecf', xe, W1) + b1[:, None, :])
    ye = jnp.einsum('ecf,efd->ecd', h, W2) + b2[:, None, :]

    # combine expert outputs back to tokens (gather via einsum)
    y = jnp.einsum('tec,ecd->td', combine, ye)         # [T, D]
    out_tok = x + y                                    # residual

    # MAR vs MNAR classification head on pooled representation
    pooled = out_tok.reshape(b, s, d).mean(axis=1)     # [B, D]
    cls_logits = pooled @ W_cls + b_cls                # [B, N_CLASSES]
    return cls_logits

if __name__ == "__main__":
    import jax
    _d = setup_inputs()
    print(jax.jit(kernel)(*tuple(_d.values())))

</pallas_src>

<mosaic_0001>
#map = affine_map<(d0, d1) -> (0, 0)>
#map1 = affine_map<(d0, d1) -> (0)>
module attributes {stable_mosaic.version = 14 : i64} {
  func.func @dispatch(%arg0: i32, %arg1: i32, %arg2: memref<2048x768xf32, #tpu.memory_space<hbm>>, %arg3: memref<2048xi32, #tpu.memory_space<hbm>>, %arg4: memref<2048xf32, #tpu.memory_space<hbm>>, %arg5: memref<4224x768xf32, #tpu.memory_space<hbm>>, %arg6: memref<4096xf32, #tpu.memory_space<hbm>>, %arg7: memref<2048xi32, #tpu.memory_space<vmem>>, %arg8: memref<2048xf32, #tpu.memory_space<vmem>>, %arg9: memref<4112xf32, #tpu.memory_space<vmem>>, %arg10: memref<64xi32, #tpu.memory_space<vmem>>, %arg11: memref<64x768xf32, #tpu.memory_space<vmem>>, %arg12: memref<!tpu.dma_semaphore, #tpu.memory_space<semaphore_mem>>) attributes {dimension_semantics = [#tpu.dimension_semantics<core_parallel>, #tpu.dimension_semantics<subcore_parallel>], iteration_bounds = array<i64: 2, 16>, scalar_prefetch = 0 : i64, scratch_operands = 6 : i64, tpu.core_type = #tpu.core_type<sc_vector_subcore>, window_params = [{transform_indices = #map}, {transform_indices = #map1}, {transform_indices = #map1}, {transform_indices = #map}, {transform_indices = #map1}]} {
    %mul3A = arith.constant 2 : i32
    %mul3A_0 = arith.muli %arg1, %mul3A : i32
    %add3A = arith.addi %mul3A_0, %arg0 : i32
    %mul3A_1 = arith.constant 64 : i32
    %mul3A_2 = arith.muli %add3A, %mul3A_1 : i32
    %dma_start3A = arith.constant 0 : i32
    %dma_start3A_3 = tpu.memref_slice %arg2[%mul3A_2, %dma_start3A] : memref<2048x768xf32, #tpu.memory_space<hbm>> -> memref<64x768xf32, #tpu.memory_space<hbm>>
    %dma_start3A_4 = arith.constant 0 : i32
    %dma_start3A_5 = tpu.memref_slice %arg2[%mul3A_2, %dma_start3A_4] : memref<2048x768xf32, #tpu.memory_space<hbm>> -> memref<64x768xf32, #tpu.memory_space<hbm>>
    tpu.enqueue_dma source(%dma_start3A_5 : memref<64x768xf32, #tpu.memory_space<hbm>>) target(%arg11 : memref<64x768xf32, #tpu.memory_space<vmem>>) target_semaphore(%arg12 : memref<!tpu.dma_semaphore, #tpu.memory_space<semaphore_mem>>)
    "tpu.region"() ({
      %run_scoped3A = tpu.sem_alloc : memref<!tpu.dma_semaphore, #tpu.memory_space<semaphore_mem>>
      tpu.enqueue_dma source(%arg3 : memref<2048xi32, #tpu.memory_space<hbm>>) target(%arg7 : memref<2048xi32, #tpu.memory_space<vmem>>) target_semaphore(%run_scoped3A : memref<!tpu.dma_semaphore, #tpu.memory_space<semaphore_mem>>)
      tpu.wait_dma2 semaphore(%run_scoped3A : memref<!tpu.dma_semaphore, #tpu.memory_space<semaphore_mem>>) src(%arg3 : memref<2048xi32, #tpu.memory_space<hbm>>) dst(%arg7 : memref<2048xi32, #tpu.memory_space<vmem>>)
      tpu.yield
    }) : () -> ()
    "tpu.region"() ({
      %run_scoped3A = tpu.sem_alloc : memref<!tpu.dma_semaphore, #tpu.memory_space<semaphore_mem>>
      tpu.enqueue_dma source(%arg4 : memref<2048xf32, #tpu.memory_space<hbm>>) target(%arg8 : memref<2048xf32, #tpu.memory_space<vmem>>) target_semaphore(%run_scoped3A : memref<!tpu.dma_semaphore, #tpu.memory_space<semaphore_mem>>)
      tpu.wait_dma2 semaphore(%run_scoped3A : memref<!tpu.dma_semaphore, #tpu.memory_space<semaphore_mem>>) src(%arg4 : memref<2048xf32, #tpu.memory_space<hbm>>) dst(%arg8 : memref<2048xf32, #tpu.memory_space<vmem>>)
      tpu.yield
    }) : () -> ()
    %broadcast_in_dim3A = arith.constant 0.000000e+00 : f32
    %broadcast_in_dim3A_6 = vector.broadcast %broadcast_in_dim3A : f32 to vector<16xf32>
    %mul3A_7 = arith.constant 128 : i32
    %mul3A_8 = arith.muli %add3A, %mul3A_7 : i32
    %scan3A = arith.constant 0 : i32
    %scan3A_9 = arith.constant 0 : i32
    %scan3A_10 = arith.constant 8 : i32
    %scan3A_11 = arith.addi %scan3A_9, %scan3A_10 : i32
    %scan3A_12 = arith.constant 1 : i32
    %scan3A_13 = scf.for %scan3A_53 = %scan3A_9 to %scan3A_11 step %scan3A_12 iter_args(%scan3A_54 = %scan3A) -> (i32)  : i32 {
      %mul3A_55 = arith.constant 16 : i32
      %mul3A_56 = arith.muli %scan3A_53, %mul3A_55 : i32
      %add3A_57 = arith.addi %mul3A_8, %mul3A_56 : i32
      %swap3A_58 = arith.index_cast %add3A_57 : i32 to index
      %swap3A_59 = tpu.vector_load %arg9[%swap3A_58] {strides = array<i32>} : memref<4112xf32, #tpu.memory_space<vmem>>, vector<16xf32>,
      tpu.vector_store %arg9[%swap3A_58], %broadcast_in_dim3A_6 {strides = array<i32>} : memref<4112xf32, #tpu.memory_space<vmem>>, vector<16xf32>,
      %scan3A_60 = arith.constant 0 : i32
      scf.yield %scan3A_60 : i32
    }
    %scan3A_14 = arith.constant 8 : i32
    %scan3A_15 = arith.constant 0 : i32
    %scan3A_16 = arith.constant 0 : i32
    %scan3A_17 = arith.constant 32 : i32
    %scan3A_18 = arith.addi %scan3A_16, %scan3A_17 : i32
    %scan3A_19 = arith.constant 1 : i32
    %scan3A_20 = scf.for %scan3A_53 = %scan3A_16 to %scan3A_18 step %scan3A_19 iter_args(%scan3A_54 = %scan3A_15) -> (i32)  : i32 {
      %mul3A_55 = arith.constant 64 : i32
      %mul3A_56 = arith.muli %scan3A_53, %mul3A_55 : i32
      %add3A_57 = arith.constant 0 : i32
      %add3A_58 = arith.addi %mul3A_56, %add3A_57 : i32
      %get3A_59 = arith.index_cast %add3A_58 : i32 to index
      %get3A_60 = tpu.vector_load %arg7[%get3A_59] {strides = array<i32>} : memref<2048xi32, #tpu.memory_space<vmem>>, vector<16xi32>,
      %mul3A_61 = arith.constant 64 : i32
      %mul3A_62 = arith.muli %scan3A_53, %mul3A_61 : i32
      %add3A_63 = arith.constant 0 : i32
      %add3A_64 = arith.addi %mul3A_62, %add3A_63 : i32
      %get3A_65 = arith.index_cast %add3A_64 : i32 to index
      %get3A_66 = tpu.vector_load %arg8[%get3A_65] {strides = array<i32>} : memref<2048xf32, #tpu.memory_space<vmem>>, vector<16xf32>,
      tpu.vector_store_idx %arg9[%get3A_60], %get3A_66 : memref<4112xf32, #tpu.memory_space<vmem>>[vector<16xi32>], vector<16xf32>,
      %mul3A_67 = arith.constant 64 : i32
      %mul3A_68 = arith.muli %scan3A_53, %mul3A_67 : i32
      %add3A_69 = arith.constant 16 : i32
      %add3A_70 = arith.addi %mul3A_68, %add3A_69 : i32
      %get3A_71 = arith.index_cast %add3A_70 : i32 to index
      %get3A_72 = tpu.vector_load %arg7[%get3A_71] {strides = array<i32>} : memref<2048xi32, #tpu.memory_space<vmem>>, vector<16xi32>,
      %mul3A_73 = arith.constant 64 : i32
      %mul3A_74 = arith.muli %scan3A_53, %mul3A_73 : i32
      %add3A_75 = arith.constant 16 : i32
      %add3A_76 = arith.addi %mul3A_74, %add3A_75 : i32
      %get3A_77 = arith.index_cast %add3A_76 : i32 to index
      %get3A_78 = tpu.vector_load %arg8[%get3A_77] {strides = array<i32>} : memref<2048xf32, #tpu.memory_space<vmem>>, vector<16xf32>,
      tpu.vector_store_idx %arg9[%get3A_72], %get3A_78 : memref<4112xf32, #tpu.memory_space<vmem>>[vector<16xi32>], vector<16xf32>,
      %mul3A_79 = arith.constant 64 : i32
      %mul3A_80 = arith.muli %scan3A_53, %mul3A_79 : i32
      %add3A_81 = arith.constant 32 : i32
      %add3A_82 = arith.addi %mul3A_80, %add3A_81 : i32
      %get3A_83 = arith.index_cast %add3A_82 : i32 to index
      %get3A_84 = tpu.vector_load %arg7[%get3A_83] {strides = array<i32>} : memref<2048xi32, #tpu.memory_space<vmem>>, vector<16xi32>,
      %mul3A_85 = arith.constant 64 : i32
      %mul3A_86 = arith.muli %scan3A_53, %mul3A_85 : i32
      %add3A_87 = arith.constant 32 : i32
      %add3A_88 = arith.addi %mul3A_86, %add3A_87 : i32
      %get3A_89 = arith.index_cast %add3A_88 : i32 to index
      %get3A_90 = tpu.vector_load %arg8[%get3A_89] {strides = array<i32>} : memref<2048xf32, #tpu.memory_space<vmem>>, vector<16xf32>,
      tpu.vector_store_idx %arg9[%get3A_84], %get3A_90 : memref<4112xf32, #tpu.memory_space<vmem>>[vector<16xi32>], vector<16xf32>,
      %mul3A_91 = arith.constant 64 : i32
      %mul3A_92 = arith.muli %scan3A_53, %mul3A_91 : i32
      %add3A_93 = arith.constant 48 : i32
      %add3A_94 = arith.addi %mul3A_92, %add3A_93 : i32
      %get3A_95 = arith.index_cast %add3A_94 : i32 to index
      %get3A_96 = tpu.vector_load %arg7[%get3A_95] {strides = array<i32>} : memref<2048xi32, #tpu.memory_space<vmem>>, vector<16xi32>,
      %mul3A_97 = arith.constant 64 : i32
      %mul3A_98 = arith.muli %scan3A_53, %mul3A_97 : i32
      %add3A_99 = arith.constant 48 : i32
      %add3A_100 = arith.addi %mul3A_98, %add3A_99 : i32
      %get3A_101 = arith.index_cast %add3A_100 : i32 to index
      %get3A_102 = tpu.vector_load %arg8[%get3A_101] {strides = array<i32>} : memref<2048xf32, #tpu.memory_space<vmem>>, vector<16xf32>,
      tpu.vector_store_idx %arg9[%get3A_96], %get3A_102 : memref<4112xf32, #tpu.memory_space<vmem>>[vector<16xi32>], vector<16xf32>,
      %scan3A_103 = arith.constant 0 : i32
      scf.yield %scan3A_103 : i32
    }
    %scan3A_21 = arith.constant 32 : i32
    "tpu.region"() ({
      %run_scoped3A = tpu.sem_alloc : memref<!tpu.dma_semaphore, #tpu.memory_space<semaphore_mem>>
      %dma_start3A_53 = tpu.memref_slice %arg9[%mul3A_8] : memref<4112xf32, #tpu.memory_space<vmem>> -> memref<128xf32, #tpu.memory_space<vmem>>
      %dma_start3A_54 = tpu.memref_slice %arg6[%mul3A_8] : memref<4096xf32, #tpu.memory_space<hbm>> -> memref<128xf32, #tpu.memory_space<hbm>>
      %dma_start3A_55 = tpu.memref_slice %arg6[%mul3A_8] : memref<4096xf32, #tpu.memory_space<hbm>> -> memref<128xf32, #tpu.memory_space<hbm>>
      %dma_start3A_56 = tpu.memref_slice %arg9[%mul3A_8] : memref<4112xf32, #tpu.memory_space<vmem>> -> memref<128xf32, #tpu.memory_space<vmem>>
      tpu.enqueue_dma source(%dma_start3A_56 : memref<128xf32, #tpu.memory_space<vmem>>) target(%dma_start3A_55 : memref<128xf32, #tpu.memory_space<hbm>>) target_semaphore(%run_scoped3A : memref<!tpu.dma_semaphore, #tpu.memory_space<semaphore_mem>>)
      %dma_wait3A_57 = tpu.memref_slice %arg9[%mul3A_8] : memref<4112xf32, #tpu.memory_space<vmem>> -> memref<128xf32, #tpu.memory_space<vmem>>
      %dma_wait3A_58 = tpu.memref_slice %arg6[%mul3A_8] : memref<4096xf32, #tpu.memory_space<hbm>> -> memref<128xf32, #tpu.memory_space<hbm>>
      %dma_wait3A_59 = tpu.memref_slice %arg6[%mul3A_8] : memref<4096xf32, #tpu.memory_space<hbm>> -> memref<128xf32, #tpu.memory_space<hbm>>
      %dma_wait3A_60 = tpu.memref_slice %arg9[%mul3A_8] : memref<4112xf32, #tpu.memory_space<vmem>> -> memref<128xf32, #tpu.memory_space<vmem>>
      tpu.wait_dma2 semaphore(%run_scoped3A : memref<!tpu.dma_semaphore, #tpu.memory_space<semaphore_mem>>) src(%dma_wait3A_60 : memref<128xf32, #tpu.memory_space<vmem>>) dst(%dma_wait3A_59 : memref<128xf32, #tpu.memory_space<hbm>>)
      tpu.yield
    }) : () -> ()
    %add3A_22 = arith.constant 0 : i32
    %add3A_23 = arith.addi %mul3A_2, %add3A_22 : i32
    %get3A = arith.index_cast %add3A_23 : i32 to index
    %get3A_24 = tpu.vector_load %arg7[%get3A] {strides = array<i32>} : memref<2048xi32, #tpu.memory_space<vmem>>, vector<16xi32>,
    %swap3A = arith.constant 0 : index
    %swap3A_25 = tpu.vector_load %arg10[%swap3A] {strides = array<i32>} : memref<64xi32, #tpu.memory_space<vmem>>, vector<16xi32>,
    tpu.vector_store %arg10[%swap3A], %get3A_24 {strides = array<i32>} : memref<64xi32, #tpu.memory_space<vmem>>, vector<16xi32>,
    %add3A_26 = arith.constant 16 : i32
    %add3A_27 = arith.addi %mul3A_2, %add3A_26 : i32
    %get3A_28 = arith.index_cast %add3A_27 : i32 to index
    %get3A_29 = tpu.vector_load %arg7[%get3A_28] {strides = array<i32>} : memref<2048xi32, #tpu.memory_space<vmem>>, vector<16xi32>,
    %swap3A_30 = arith.constant 16 : index
    %swap3A_31 = tpu.vector_load %arg10[%swap3A_30] {strides = array<i32>} : memref<64xi32, #tpu.memory_space<vmem>>, vector<16xi32>,
    tpu.vector_store %arg10[%swap3A_30], %get3A_29 {strides = array<i32>} : memref<64xi32, #tpu.memory_space<vmem>>, vector<16xi32>,
    %add3A_32 = arith.constant 32 : i32
    %add3A_33 = arith.addi %mul3A_2, %add3A_32 : i32
    %get3A_34 = arith.index_cast %add3A_33 : i32 to index
    %get3A_35 = tpu.vector_load %arg7[%get3A_34] {strides = array<i32>} : memref<2048xi32, #tpu.memory_space<vmem>>, vector<16xi32>,
    %swap3A_36 = arith.constant 32 : index
    %swap3A_37 = tpu.vector_load %arg10[%swap3A_36] {strides = array<i32>} : memref<64xi32, #tpu.memory_space<vmem>>, vector<16xi32>,
    tpu.vector_store %arg10[%swap3A_36], %get3A_35 {strides = array<i32>} : memref<64xi32, #tpu.memory_space<vmem>>, vector<16xi32>,
    %add3A_38 = arith.constant 48 : i32
    %add3A_39 = arith.addi %mul3A_2, %add3A_38 : i32
    %get3A_40 = arith.index_cast %add3A_39 : i32 to index
    %get3A_41 = tpu.vector_load %arg7[%get3A_40] {strides = array<i32>} : memref<2048xi32, #tpu.memory_space<vmem>>, vector<16xi32>,
    %swap3A_42 = arith.constant 48 : index
    %swap3A_43 = tpu.vector_load %arg10[%swap3A_42] {strides = array<i32>} : memref<64xi32, #tpu.memory_space<vmem>>, vector<16xi32>,
    tpu.vector_store %arg10[%swap3A_42], %get3A_41 {strides = array<i32>} : memref<64xi32, #tpu.memory_space<vmem>>, vector<16xi32>,
    %dma_wait3A = arith.constant 0 : i32
    %dma_wait3A_44 = tpu.memref_slice %arg2[%mul3A_2, %dma_wait3A] : memref<2048x768xf32, #tpu.memory_space<hbm>> -> memref<64x768xf32, #tpu.memory_space<hbm>>
    %dma_wait3A_45 = arith.constant 0 : i32
    %dma_wait3A_46 = tpu.memref_slice %arg2[%mul3A_2, %dma_wait3A_45] : memref<2048x768xf32, #tpu.memory_space<hbm>> -> memref<64x768xf32, #tpu.memory_space<hbm>>
    tpu.wait_dma2 semaphore(%arg12 : memref<!tpu.dma_semaphore, #tpu.memory_space<semaphore_mem>>) src(%dma_wait3A_46 : memref<64x768xf32, #tpu.memory_space<hbm>>) dst(%arg11 : memref<64x768xf32, #tpu.memory_space<vmem>>)
    %dma_start3A_47 = arith.constant 0 : i32
    %dma_start3A_48 = arith.constant 0 : i32
    %dma_start3A_49 = tpu.memref_slice %arg5[%dma_start3A_47, %dma_start3A_48] : memref<4224x768xf32, #tpu.memory_space<hbm>> -> memref<4224x768xf32, #tpu.memory_space<hbm>>
    tpu.enqueue_indirect_dma source(%arg11 : memref<64x768xf32, #tpu.memory_space<vmem>>) target(%dma_start3A_49 : memref<4224x768xf32, #tpu.memory_space<hbm>>) offsets(%arg10 : memref<64xi32, #tpu.memory_space<vmem>>) semaphore(%arg12 : memref<!tpu.dma_semaphore, #tpu.memory_space<semaphore_mem>>)
    %dma_wait3A_50 = arith.constant 0 : i32
    %dma_wait3A_51 = arith.constant 0 : i32
    %dma_wait3A_52 = tpu.memref_slice %arg5[%dma_wait3A_50, %dma_wait3A_51] : memref<4224x768xf32, #tpu.memory_space<hbm>> -> memref<4224x768xf32, #tpu.memory_space<hbm>>
    tpu.wait_indirect_dma semaphore(%arg12 : memref<!tpu.dma_semaphore, #tpu.memory_space<semaphore_mem>>) src(%arg11 : memref<64x768xf32, #tpu.memory_space<vmem>>) dst(%dma_wait3A_52 : memref<4224x768xf32, #tpu.memory_space<hbm>>)
    return
  }
}

module attributes {stable_mosaic.version = 14 : i64} {
  func.func @_routing_body(%arg0: memref<1xi32, #tpu.memory_space<smem>>, %arg1: memref<2048x768xf32, #tpu.memory_space<vmem>>, %arg2: memref<1x64xf32, #tpu.memory_space<vmem>>, %arg3: memref<64x768xf32, #tpu.memory_space<vmem>>, %arg4: memref<32x768xf32, #tpu.memory_space<vmem>>, %arg5: memref<768x64xf32, #tpu.memory_space<vmem>>, %arg6: memref<768x64xf32, #tpu.memory_space<vmem>>, %arg7: memref<2048x1xi32, #tpu.memory_space<vmem>>, %arg8: memref<2048x1xf32, #tpu.memory_space<vmem>>, %arg9: memref<1x768xf32, #tpu.memory_space<vmem>>) attributes {dimension_semantics = [], scalar_prefetch = 0 : i64, scratch_operands = 0 : i64, tpu.core_type = #tpu.core_type<tc>} {
    %get3A = arith.constant 0 : index
    %get3A_0 = arith.constant 0 : index
    %get3A_1 = vector.load %arg1[%get3A, %get3A_0] : memref<2048x768xf32, #tpu.memory_space<vmem>>, vector<2048x768xf32>
    %get3A_2 = arith.constant 0 : index
    %get3A_3 = arith.constant 0 : index
    %get3A_4 = vector.load %arg2[%get3A_2, %get3A_3] : memref<1x64xf32, #tpu.memory_space<vmem>>, vector<1x64xf32>
    %get3A_5 = arith.constant 0 : index
    %get3A_6 = arith.constant 0 : index
    %get3A_7 = vector.load %arg3[%get3A_5, %get3A_6] : memref<64x768xf32, #tpu.memory_space<vmem>>, vector<64x768xf32>
    %dot_general3A = arith.constant dense<0.000000e+00> : vector<1x768xf32>
    %dot_general3A_8 = tpu.matmul %get3A_4, %get3A_7, %dot_general3A {dimension_numbers = #tpu.dot_dimension_numbers<[1], [0], [0], [1], [0, 0, 1, 1], [], []>, transpose_lhs_hint = false} : vector<1x64xf32>, vector<64x768xf32>, vector<1x768xf32> -> vector<1x768xf32>
    %get3A_9 = arith.constant 0 : index
    %get3A_10 = memref.load %arg0[%get3A_9] : memref<1xi32, #tpu.memory_space<smem>>
    %iota3A = tpu.iota {dimensions = array<i32: 1>} : vector<1x32xi32>
    %eq3A = vector.broadcast %get3A_10 : i32 to vector<1x32xi32>
    %eq3A_11 = arith.cmpi eq, %iota3A, %eq3A : vector<1x32xi32>
    %convert_element_type3A = arith.extui %eq3A_11 : vector<1x32xi1> to vector<1x32xi32>
    %convert_element_type3A_12 = arith.sitofp %convert_element_type3A : vector<1x32xi32> to vector<1x32xf32>
    %get3A_13 = arith.constant 0 : index
    %get3A_14 = arith.constant 0 : index
    %get3A_15 = vector.load %arg4[%get3A_13, %get3A_14] : memref<32x768xf32, #tpu.memory_space<vmem>>, vector<32x768xf32>
    %dot_general3A_16 = arith.constant dense<0.000000e+00> : vector<1x768xf32>
    %dot_general3A_17 = tpu.matmul %convert_element_type3A_12, %get3A_15, %dot_general3A_16 {dimension_numbers = #tpu.dot_dimension_numbers<[1], [0], [0], [1], [0, 0, 1, 1], [], []>, transpose_lhs_hint = false} : vector<1x32xf32>, vector<32x768xf32>, vector<1x768xf32> -> vector<1x768xf32>
    %add3A = arith.addf %dot_general3A_8, %dot_general3A_17 : vector<1x768xf32>
    %get3A_18 = arith.constant 0 : index
    %get3A_19 = arith.constant 0 : index
    %get3A_20 = vector.load %arg6[%get3A_18, %get3A_19] : memref<768x64xf32, #tpu.memory_space<vmem>>, vector<768x64xf32>
    %dot_general3A_21 = arith.constant dense<0.000000e+00> : vector<1x64xf32>
    %dot_general3A_22 = tpu.matmul %add3A, %get3A_20, %dot_general3A_21 {dimension_numbers = #tpu.dot_dimension_numbers<[1], [0], [0], [1], [0, 0, 1, 1], [], []>, transpose_lhs_hint = false} : vector<1x768xf32>, vector<768x64xf32>, vector<1x64xf32> -> vector<1x64xf32>
    %get3A_23 = arith.constant 0 : index
    %get3A_24 = arith.constant 0 : index
    %get3A_25 = vector.load %arg5[%get3A_23, %get3A_24] : memref<768x64xf32, #tpu.memory_space<vmem>>, vector<768x64xf32>
    %dot_general3A_26 = arith.constant dense<0.000000e+00> : vector<2048x64xf32>
    %dot_general3A_27 = tpu.matmul %get3A_1, %get3A_25, %dot_general3A_26 {dimension_numbers = #tpu.dot_dimension_numbers<[1], [0], [0], [1], [0, 0, 1, 1], [], []>, transpose_lhs_hint = false} : vector<2048x768xf32>, vector<768x64xf32>, vector<2048x64xf32> -> vector<2048x64xf32>
    %add3A_28 = vector.broadcast %dot_general3A_22 : vector<1x64xf32> to vector<2048x64xf32>
    %add3A_29 = arith.addf %dot_general3A_27, %add3A_28 : vector<2048x64xf32>
    %reduce_max3A = arith.constant dense<0xFF800000> : vector<2048xf32>
    %reduce_max3A_30 = vector.multi_reduction <maximumf>, %add3A_29, %reduce_max3A [1] : vector<2048x64xf32> to vector<2048xf32>
    %broadcast_in_dim3A = vector.shape_cast %reduce_max3A_30 : vector<2048xf32> to vector<2048x1xf32>
    %sub3A = vector.broadcast %broadcast_in_dim3A : vector<2048x1xf32> to vector<2048x64xf32>
    %sub3A_31 = arith.subf %add3A_29, %sub3A : vector<2048x64xf32>
    %exp3A = math.exp %sub3A_31 : vector<2048x64xf32>
    %reduce_sum3A = arith.constant dense<0.000000e+00> : vector<2048xf32>
    %reduce_sum3A_32 = vector.multi_reduction <add>, %exp3A, %reduce_sum3A [1] : vector<2048x64xf32> to vector<2048xf32>
    %broadcast_in_dim3A_33 = vector.shape_cast %reduce_sum3A_32 : vector<2048xf32> to vector<2048x1xf32>
    %div3A = arith.constant 1.000000e+00 : f32
    %div3A_34 = vector.broadcast %div3A : f32 to vector<2048x1xf32>
    %div3A_35 = arith.divf %div3A_34, %broadcast_in_dim3A_33 : vector<2048x1xf32>
    %swap3A = arith.constant 0 : index
    %swap3A_36 = arith.constant 0 : index
    %swap3A_37 = vector.load %arg8[%swap3A, %swap3A_36] : memref<2048x1xf32, #tpu.memory_space<vmem>>, vector<2048x1xf32>
    tpu.vector_store %arg8[%swap3A, %swap3A_36], %div3A_35 {strides = array<i32>} : memref<2048x1xf32, #tpu.memory_space<vmem>>, vector<2048x1xf32>,
    %iota3A_38 = tpu.iota {dimensions = array<i32: 1>} : vector<2048x64xi32>
    %ge3A = vector.broadcast %broadcast_in_dim3A : vector<2048x1xf32> to vector<2048x64xf32>
    %ge3A_39 = arith.cmpf oge, %add3A_29, %ge3A : vector<2048x64xf32>
    %jit3A = arith.constant 64 : i32
    %broadcast_in_dim3A_40 = vector.broadcast %jit3A : i32 to vector<2048x64xi32>
    %select_n3A = arith.select %ge3A_39, %iota3A_38, %broadcast_in_dim3A_40 : vector<2048x64xi1>, vector<2048x64xi32>
    %reduce_min3A = arith.constant dense<2147483647> : vector<2048xi32>
    %reduce_min3A_41 = vector.multi_reduction <minsi>, %select_n3A, %reduce_min3A [1] : vector<2048x64xi32> to vector<2048xi32>
    %broadcast_in_dim3A_42 = vector.shape_cast %reduce_min3A_41 : vector<2048xi32> to vector<2048x1xi32>
    %eq3A_43 = vector.broadcast %broadcast_in_dim3A_42 : vector<2048x1xi32> to vector<2048x64xi32>
    %eq3A_44 = arith.cmpi eq, %iota3A_38, %eq3A_43 : vector<2048x64xi32>
    %convert_element_type3A_45 = arith.extui %eq3A_44 : vector<2048x64xi1> to vector<2048x64xi32>
    %convert_element_type3A_46 = arith.sitofp %convert_element_type3A_45 : vector<2048x64xi32> to vector<2048x64xf32>
    %iota3A_47 = tpu.iota {dimensions = array<i32: 1>} : vector<128x128xi32>
    %iota3A_48 = tpu.iota {dimensions = array<i32: 0>} : vector<128x128xi32>
    %le3A = arith.cmpi sle, %iota3A_47, %iota3A_48 : vector<128x128xi32>
    %convert_element_type3A_49 = arith.extui %le3A : vector<128x128xi1> to vector<128x128xi32>
    %convert_element_type3A_50 = arith.sitofp %convert_element_type3A_49 : vector<128x128xi32> to vector<128x128xf32>
    %broadcast_in_dim3A_51 = arith.constant 0.000000e+00 : f32
    %broadcast_in_dim3A_52 = vector.broadcast %broadcast_in_dim3A_51 : f32 to vector<1x64xf32>
    %slice3A = vector.extract_strided_slice %convert_element_type3A_46 {offsets = [0, 0], sizes = [128, 64], strides = [1, 1]} : vector<2048x64xf32> to vector<128x64xf32>
    %dot_general3A_53 = arith.constant dense<0.000000e+00> : vector<128x64xf32>
    %dot_general3A_54 = tpu.matmul %convert_element_type3A_50, %slice3A, %dot_general3A_53 {dimension_numbers = #tpu.dot_dimension_numbers<[1], [0], [0], [1], [0, 0, 1, 1], [], []>, transpose_lhs_hint = false} : vector<128x128xf32>, vector<128x64xf32>, vector<128x64xf32> -> vector<128x64xf32>
    %add3A_55 = vector.broadcast %broadcast_in_dim3A_52 : vector<1x64xf32> to vector<128x64xf32>
    %add3A_56 = arith.addf %dot_general3A_54, %add3A_55 : vector<128x64xf32>
    %sub3A_57 = arith.constant 1.000000e+00 : f32
    %sub3A_58 = vector.broadcast %sub3A_57 : f32 to vector<128x64xf32>
    %sub3A_59 = arith.subf %add3A_56, %sub3A_58 : vector<128x64xf32>
    %reduce_sum3A_60 = arith.constant dense<0.000000e+00> : vector<64xf32>
    %reduce_sum3A_61 = vector.multi_reduction <add>, %slice3A, %reduce_sum3A_60 [0] : vector<128x64xf32> to vector<64xf32>
    %broadcast_in_dim3A_62 = vector.shape_cast %reduce_sum3A_61 : vector<64xf32> to vector<1x64xf32>
    %add3A_63 = arith.addf %broadcast_in_dim3A_52, %broadcast_in_dim3A_62 : vector<1x64xf32>
    %mul3A = arith.mulf %sub3A_59, %slice3A : vector<128x64xf32>
    %reduce_sum3A_64 = arith.constant dense<0.000000e+00> : vector<128xf32>
    %reduce_sum3A_65 = vector.multi_reduction <add>, %mul3A, %reduce_sum3A_64 [1] : vector<128x64xf32> to vector<128xf32>
    %broadcast_in_dim3A_66 = vector.shape_cast %reduce_sum3A_65 : vector<128xf32> to vector<128x1xf32>
    %lt3A = arith.constant 6.400000e+01 : f32
    %lt3A_67 = vector.broadcast %lt3A : f32 to vector<128x1xf32>
    %lt3A_68 = arith.cmpf olt, %broadcast_in_dim3A_66, %lt3A_67 : vector<128x1xf32>
    %slice3A_69 = vector.extract_strided_slice %broadcast_in_dim3A_42 {offsets = [0, 0], sizes = [128, 1], strides = [1, 1]} : vector<2048x1xi32> to vector<128x1xi32>
    %iota3A_70 = tpu.iota {dimensions = array<i32: 0>} : vector<128x1xi32>
    %mul3A_71 = arith.constant 64 : i32
    %mul3A_72 = vector.broadcast %mul3A_71 : i32 to vector<128x1xi32>
    %mul3A_73 = arith.muli %slice3A_69, %mul3A_72 : vector<128x1xi32>
    %convert_element_type3A_74 = arith.fptosi %broadcast_in_dim3A_66 : vector<128x1xf32> to vector<128x1xi32>
    %add3A_75 = arith.addi %mul3A_73, %convert_element_type3A_74 : vector<128x1xi32>
    %and3A = arith.constant 15 : i32
    %and3A_76 = vector.broadcast %and3A : i32 to vector<128x1xi32>
    %and3A_77 = arith.andi %iota3A_70, %and3A_76 : vector<128x1xi32>
    %add3A_78 = arith.constant 4096 : i32
    %add3A_79 = vector.broadcast %add3A_78 : i32 to vector<128x1xi32>
    %add3A_80 = arith.addi %add3A_79, %and3A_77 : vector<128x1xi32>
    %select_n3A_81 = arith.select %lt3A_68, %add3A_75, %add3A_80 : vector<128x1xi1>, vector<128x1xi32>
    %swap3A_82 = arith.constant 0 : index
    %swap3A_83 = arith.constant 0 : index
    %swap3A_84 = vector.load %arg7[%swap3A_82, %swap3A_83] : memref<2048x1xi32, #tpu.memory_space<vmem>>, vector<128x1xi32>
    tpu.vector_store %arg7[%swap3A_82, %swap3A_83], %select_n3A_81 {strides = array<i32>} : memref<2048x1xi32, #tpu.memory_space<vmem>>, vector<128x1xi32>,
    %slice3A_85 = vector.extract_strided_slice %convert_element_type3A_46 {offsets = [128, 0], sizes = [128, 64], strides = [1, 1]} : vector<2048x64xf32> to vector<128x64xf32>
    %dot_general3A_86 = arith.constant dense<0.000000e+00> : vector<128x64xf32>
    %dot_general3A_87 = tpu.matmul %convert_element_type3A_50, %slice3A_85, %dot_general3A_86 {dimension_numbers = #tpu.dot_dimension_numbers<[1], [0], [0], [1], [0, 0, 1, 1], [], []>, transpose_lhs_hint = false} : vector<128x128xf32>, vector<128x64xf32>, vector<128x64xf32> -> vector<128x64xf32>
    %add3A_88 = vector.broadcast %add3A_63 : vector<1x64xf32> to vector<128x64xf32>
    %add3A_89 = arith.addf %dot_general3A_87, %add3A_88 : vector<128x64xf32>
    %sub3A_90 = arith.constant 1.000000e+00 : f32
    %sub3A_91 = vector.broadcast %sub3A_90 : f32 to vector<128x64xf32>
    %sub3A_92 = arith.subf %add3A_89, %sub3A_91 : vector<128x64xf32>
    %reduce_sum3A_93 = arith.constant dense<0.000000e+00> : vector<64xf32>
    %reduce_sum3A_94 = vector.multi_reduction <add>, %slice3A_85, %reduce_sum3A_93 [0] : vector<128x64xf32> to vector<64xf32>
    %broadcast_in_dim3A_95 = vector.shape_cast %reduce_sum3A_94 : vector<64xf32> to vector<1x64xf32>
    %add3A_96 = arith.addf %add3A_63, %broadcast_in_dim3A_95 : vector<1x64xf32>
    %mul3A_97 = arith.mulf %sub3A_92, %slice3A_85 : vector<128x64xf32>
    %reduce_sum3A_98 = arith.constant dense<0.000000e+00> : vector<128xf32>
    %reduce_sum3A_99 = vector.multi_reduction <add>, %mul3A_97, %reduce_sum3A_98 [1] : vector<128x64xf32> to vector<128xf32>
    %broadcast_in_dim3A_100 = vector.shape_cast %reduce_sum3A_99 : vector<128xf32> to vector<128x1xf32>
    %lt3A_101 = arith.constant 6.400000e+01 : f32
    %lt3A_102 = vector.broadcast %lt3A_101 : f32 to vector<128x1xf32>
    %lt3A_103 = arith.cmpf olt, %broadcast_in_dim3A_100, %lt3A_102 : vector<128x1xf32>
    %slice3A_104 = vector.extract_strided_slice %broadcast_in_dim3A_42 {offsets = [128, 0], sizes = [128, 1], strides = [1, 1]} : vector<2048x1xi32> to vector<128x1xi32>
    %iota3A_105 = tpu.iota {dimensions = array<i32: 0>} : vector<128x1xi32>
    %mul3A_106 = arith.constant 64 : i32
    %mul3A_107 = vector.broadcast %mul3A_106 : i32 to vector<128x1xi32>
    %mul3A_108 = arith.muli %slice3A_104, %mul3A_107 : vector<128x1xi32>
    %convert_element_type3A_109 = arith.fptosi %broadcast_in_dim3A_100 : vector<128x1xf32> to vector<128x1xi32>
    %add3A_110 = arith.addi %mul3A_108, %convert_element_type3A_109 : vector<128x1xi32>
    %and3A_111 = arith.constant 15 : i32
    %and3A_112 = vector.broadcast %and3A_111 : i32 to vector<128x1xi32>
    %and3A_113 = arith.andi %iota3A_105, %and3A_112 : vector<128x1xi32>
    %add3A_114 = arith.constant 4096 : i32
    %add3A_115 = vector.broadcast %add3A_114 : i32 to vector<128x1xi32>
    %add3A_116 = arith.addi %add3A_115, %and3A_113 : vector<128x1xi32>
    %select_n3A_117 = arith.select %lt3A_103, %add3A_110, %add3A_116 : vector<128x1xi1>, vector<128x1xi32>
    %swap3A_118 = arith.constant 128 : index
    %swap3A_119 = arith.constant 0 : index
    %swap3A_120 = vector.load %arg7[%swap3A_118, %swap3A_119] : memref<2048x1xi32, #tpu.memory_space<vmem>>, vector<128x1xi32>
    tpu.vector_store %arg7[%swap3A_118, %swap3A_119], %select_n3A_117 {strides = array<i32>} : memref<2048x1xi32, #tpu.memory_space<vmem>>, vector<128x1xi32>,
    %slice3A_121 = vector.extract_strided_slice %convert_element_type3A_46 {offsets = [256, 0], sizes = [128, 64], strides = [1, 1]} : vector<2048x64xf32> to vector<128x64xf32>
    %dot_general3A_122 = arith.constant dense<0.000000e+00> : vector<128x64xf32>
    %dot_general3A_123 = tpu.matmul %convert_element_type3A_50, %slice3A_121, %dot_general3A_122 {dimension_numbers = #tpu.dot_dimension_numbers<[1], [0], [0], [1], [0, 0, 1, 1], [], []>, transpose_lhs_hint = false} : vector<128x128xf32>, vector<128x64xf32>, vector<128x64xf32> -> vector<128x64xf32>
    %add3A_124 = vector.broadcast %add3A_96 : vector<1x64xf32> to vector<128x64xf32>
    %add3A_125 = arith.addf %dot_general3A_123, %add3A_124 : vector<128x64xf32>
    %sub3A_126 = arith.constant 1.000000e+00 : f32
    %sub3A_127 = vector.broadcast %sub3A_126 : f32 to vector<128x64xf32>
    %sub3A_128 = arith.subf %add3A_125, %sub3A_127 : vector<128x64xf32>
    %reduce_sum3A_129 = arith.constant dense<0.000000e+00> : vector<64xf32>
    %reduce_sum3A_130 = vector.multi_reduction <add>, %slice3A_121, %reduce_sum3A_129 [0] : vector<128x64xf32> to vector<64xf32>
    %broadcast_in_dim3A_131 = vector.shape_cast %reduce_sum3A_130 : vector<64xf32> to vector<1x64xf32>
    %add3A_132 = arith.addf %add3A_96, %broadcast_in_dim3A_131 : vector<1x64xf32>
    %mul3A_133 = arith.mulf %sub3A_128, %slice3A_121 : vector<128x64xf32>
    %reduce_sum3A_134 = arith.constant dense<0.000000e+00> : vector<128xf32>
    %reduce_sum3A_135 = vector.multi_reduction <add>, %mul3A_133, %reduce_sum3A_134 [1] : vector<128x64xf32> to vector<128xf32>
    %broadcast_in_dim3A_136 = vector.shape_cast %reduce_sum3A_135 : vector<128xf32> to vector<128x1xf32>
    %lt3A_137 = arith.constant 6.400000e+01 : f32
    %lt3A_138 = vector.broadcast %lt3A_137 : f32 to vector<128x1xf32>
    %lt3A_139 = arith.cmpf olt, %broadcast_in_dim3A_136, %lt3A_138 : vector<128x1xf32>
    %slice3A_140 = vector.extract_strided_slice %broadcast_in_dim3A_42 {offsets = [256, 0], sizes = [128, 1], strides = [1, 1]} : vector<2048x1xi32> to vector<128x1xi32>
    %iota3A_141 = tpu.iota {dimensions = array<i32: 0>} : vector<128x1xi32>
    %mul3A_142 = arith.constant 64 : i32
    %mul3A_143 = vector.broadcast %mul3A_142 : i32 to vector<128x1xi32>
    %mul3A_144 = arith.muli %slice3A_140, %mul3A_143 : vector<128x1xi32>
    %convert_element_type3A_145 = arith.fptosi %broadcast_in_dim3A_136 : vector<128x1xf32> to vector<128x1xi32>
    %add3A_146 = arith.addi %mul3A_144, %convert_element_type3A_145 : vector<128x1xi32>
    %and3A_147 = arith.constant 15 : i32
    %and3A_148 = vector.broadcast %and3A_147 : i32 to vector<128x1xi32>
    %and3A_149 = arith.andi %iota3A_141, %and3A_148 : vector<128x1xi32>
    %add3A_150 = arith.constant 4096 : i32
    %add3A_151 = vector.broadcast %add3A_150 : i32 to vector<128x1xi32>
    %add3A_152 = arith.addi %add3A_151, %and3A_149 : vector<128x1xi32>
    %select_n3A_153 = arith.select %lt3A_139, %add3A_146, %add3A_152 : vector<128x1xi1>, vector<128x1xi32>
    %swap3A_154 = arith.constant 256 : index
    %swap3A_155 = arith.constant 0 : index
    %swap3A_156 = vector.load %arg7[%swap3A_154, %swap3A_155] : memref<2048x1xi32, #tpu.memory_space<vmem>>, vector<128x1xi32>
    tpu.vector_store %arg7[%swap3A_154, %swap3A_155], %select_n3A_153 {strides = array<i32>} : memref<2048x1xi32, #tpu.memory_space<vmem>>, vector<128x1xi32>,
    %slice3A_157 = vector.extract_strided_slice %convert_element_type3A_46 {offsets = [384, 0], sizes = [128, 64], strides = [1, 1]} : vector<2048x64xf32> to vector<128x64xf32>
    %dot_general3A_158 = arith.constant dense<0.000000e+00> : vector<128x64xf32>
    %dot_general3A_159 = tpu.matmul %convert_element_type3A_50, %slice3A_157, %dot_general3A_158 {dimension_numbers = #tpu.dot_dimension_numbers<[1], [0], [0], [1], [0, 0, 1, 1], [], []>, transpose_lhs_hint = false} : vector<128x128xf32>, vector<128x64xf32>, vector<128x64xf32> -> vector<128x64xf32>
    %add3A_160 = vector.broadcast %add3A_132 : vector<1x64xf32> to vector<128x64xf32>
    %add3A_161 = arith.addf %dot_general3A_159, %add3A_160 : vector<128x64xf32>
    %sub3A_162 = arith.constant 1.000000e+00 : f32
    %sub3A_163 = vector.broadcast %sub3A_162 : f32 to vector<128x64xf32>
    %sub3A_164 = arith.subf %add3A_161, %sub3A_163 : vector<128x64xf32>
    %reduce_sum3A_165 = arith.constant dense<0.000000e+00> : vector<64xf32>
    %reduce_sum3A_166 = vector.multi_reduction <add>, %slice3A_157, %reduce_sum3A_165 [0] : vector<128x64xf32> to vector<64xf32>
    %broadcast_in_dim3A_167 = vector.shape_cast %reduce_sum3A_166 : vector<64xf32> to vector<1x64xf32>
    %add3A_168 = arith.addf %add3A_132, %broadcast_in_dim3A_167 : vector<1x64xf32>
    %mul3A_169 = arith.mulf %sub3A_164, %slice3A_157 : vector<128x64xf32>
    %reduce_sum3A_170 = arith.constant dense<0.000000e+00> : vector<128xf32>
    %reduce_sum3A_171 = vector.multi_reduction <add>, %mul3A_169, %reduce_sum3A_170 [1] : vector<128x64xf32> to vector<128xf32>
    %broadcast_in_dim3A_172 = vector.shape_cast %reduce_sum3A_171 : vector<128xf32> to vector<128x1xf32>
    %lt3A_173 = arith.constant 6.400000e+01 : f32
    %lt3A_174 = vector.broadcast %lt3A_173 : f32 to vector<128x1xf32>
    %lt3A_175 = arith.cmpf olt, %broadcast_in_dim3A_172, %lt3A_174 : vector<128x1xf32>
    %slice3A_176 = vector.extract_strided_slice %broadcast_in_dim3A_42 {offsets = [384, 0], sizes = [128, 1], strides = [1, 1]} : vector<2048x1xi32> to vector<128x1xi32>
    %iota3A_177 = tpu.iota {dimensions = array<i32: 0>} : vector<128x1xi32>
    %mul3A_178 = arith.constant 64 : i32
    %mul3A_179 = vector.broadcast %mul3A_178 : i32 to vector<128x1xi32>
    %mul3A_180 = arith.muli %slice3A_176, %mul3A_179 : vector<128x1xi32>
    %convert_element_type3A_181 = arith.fptosi %broadcast_in_dim3A_172 : vector<128x1xf32> to vector<128x1xi32>
    %add3A_182 = arith.addi %mul3A_180, %convert_element_type3A_181 : vector<128x1xi32>
    %and3A_183 = arith.constant 15 : i32
    %and3A_184 = vector.broadcast %and3A_183 : i32 to vector<128x1xi32>
    %and3A_185 = arith.andi %iota3A_177, %and3A_184 : vector<128x1xi32>
    %add3A_186 = arith.constant 4096 : i32
    %add3A_187 = vector.broadcast %add3A_186 : i32 to vector<128x1xi32>
    %add3A_188 = arith.addi %add3A_187, %and3A_185 : vector<128x1xi32>
    %select_n3A_189 = arith.select %lt3A_175, %add3A_182, %add3A_188 : vector<128x1xi1>, vector<128x1xi32>
    %swap3A_190 = arith.constant 384 : index
    %swap3A_191 = arith.constant 0 : index
    %swap3A_192 = vector.load %arg7[%swap3A_190, %swap3A_191] : memref<2048x1xi32, #tpu.memory_space<vmem>>, vector<128x1xi32>
    tpu.vector_store %arg7[%swap3A_190, %swap3A_191], %select_n3A_189 {strides = array<i32>} : memref<2048x1xi32, #tpu.memory_space<vmem>>, vector<128x1xi32>,
    %slice3A_193 = vector.extract_strided_slice %convert_element_type3A_46 {offsets = [512, 0], sizes = [128, 64], strides = [1, 1]} : vector<2048x64xf32> to vector<128x64xf32>
    %dot_general3A_194 = arith.constant dense<0.000000e+00> : vector<128x64xf32>
    %dot_general3A_195 = tpu.matmul %convert_element_type3A_50, %slice3A_193, %dot_general3A_194 {dimension_numbers = #tpu.dot_dimension_numbers<[1], [0], [0], [1], [0, 0, 1, 1], [], []>, transpose_lhs_hint = false} : vector<128x128xf32>, vector<128x64xf32>, vector<128x64xf32> -> vector<128x64xf32>
    %add3A_196 = vector.broadcast %add3A_168 : vector<1x64xf32> to vector<128x64xf32>
    %add3A_197 = arith.addf %dot_general3A_195, %add3A_196 : vector<128x64xf32>
    %sub3A_198 = arith.constant 1.000000e+00 : f32
    %sub3A_199 = vector.broadcast %sub3A_198 : f32 to vector<128x64xf32>
    %sub3A_200 = arith.subf %add3A_197, %sub3A_199 : vector<128x64xf32>
    %reduce_sum3A_201 = arith.constant dense<0.000000e+00> : vector<64xf32>
    %reduce_sum3A_202 = vector.multi_reduction <add>, %slice3A_193, %reduce_sum3A_201 [0] : vector<128x64xf32> to vector<64xf32>
    %broadcast_in_dim3A_203 = vector.shape_cast %reduce_sum3A_202 : vector<64xf32> to vector<1x64xf32>
    %add3A_204 = arith.addf %add3A_168, %broadcast_in_dim3A_203 : vector<1x64xf32>
    %mul3A_205 = arith.mulf %sub3A_200, %slice3A_193 : vector<128x64xf32>
    %reduce_sum3A_206 = arith.constant dense<0.000000e+00> : vector<128xf32>
    %reduce_sum3A_207 = vector.multi_reduction <add>, %mul3A_205, %reduce_sum3A_206 [1] : vector<128x64xf32> to vector<128xf32>
    %broadcast_in_dim3A_208 = vector.shape_cast %reduce_sum3A_207 : vector<128xf32> to vector<128x1xf32>
    %lt3A_209 = arith.constant 6.400000e+01 : f32
    %lt3A_210 = vector.broadcast %lt3A_209 : f32 to vector<128x1xf32>
    %lt3A_211 = arith.cmpf olt, %broadcast_in_dim3A_208, %lt3A_210 : vector<128x1xf32>
    %slice3A_212 = vector.extract_strided_slice %broadcast_in_dim3A_42 {offsets = [512, 0], sizes = [128, 1], strides = [1, 1]} : vector<2048x1xi32> to vector<128x1xi32>
    %iota3A_213 = tpu.iota {dimensions = array<i32: 0>} : vector<128x1xi32>
    %mul3A_214 = arith.constant 64 : i32
    %mul3A_215 = vector.broadcast %mul3A_214 : i32 to vector<128x1xi32>
    %mul3A_216 = arith.muli %slice3A_212, %mul3A_215 : vector<128x1xi32>
    %convert_element_type3A_217 = arith.fptosi %broadcast_in_dim3A_208 : vector<128x1xf32> to vector<128x1xi32>
    %add3A_218 = arith.addi %mul3A_216, %convert_element_type3A_217 : vector<128x1xi32>
    %and3A_219 = arith.constant 15 : i32
    %and3A_220 = vector.broadcast %and3A_219 : i32 to vector<128x1xi32>
    %and3A_221 = arith.andi %iota3A_213, %and3A_220 : vector<128x1xi32>
    %add3A_222 = arith.constant 4096 : i32
    %add3A_223 = vector.broadcast %add3A_222 : i32 to vector<128x1xi32>
    %add3A_224 = arith.addi %add3A_223, %and3A_221 : vector<128x1xi32>
    %select_n3A_225 = arith.select %lt3A_211, %add3A_218, %add3A_224 : vector<128x1xi1>, vector<128x1xi32>
    %swap3A_226 = arith.constant 512 : index
    %swap3A_227 = arith.constant 0 : index
    %swap3A_228 = vector.load %arg7[%swap3A_226, %swap3A_227] : memref<2048x1xi32, #tpu.memory_space<vmem>>, vector<128x1xi32>
    tpu.vector_store %arg7[%swap3A_226, %swap3A_227], %select_n3A_225 {strides = array<i32>} : memref<2048x1xi32, #tpu.memory_space<vmem>>, vector<128x1xi32>,
    %slice3A_229 = vector.extract_strided_slice %convert_element_type3A_46 {offsets = [640, 0], sizes = [128, 64], strides = [1, 1]} : vector<2048x64xf32> to vector<128x64xf32>
    %dot_general3A_230 = arith.constant dense<0.000000e+00> : vector<128x64xf32>
    %dot_general3A_231 = tpu.matmul %convert_element_type3A_50, %slice3A_229, %dot_general3A_230 {dimension_numbers = #tpu.dot_dimension_numbers<[1], [0], [0], [1], [0, 0, 1, 1], [], []>, transpose_lhs_hint = false} : vector<128x128xf32>, vector<128x64xf32>, vector<128x64xf32> -> vector<128x64xf32>
    %add3A_232 = vector.broadcast %add3A_204 : vector<1x64xf32> to vector<128x64xf32>
    %add3A_233 = arith.addf %dot_general3A_231, %add3A_232 : vector<128x64xf32>
    %sub3A_234 = arith.constant 1.000000e+00 : f32
    %sub3A_235 = vector.broadcast %sub3A_234 : f32 to vector<128x64xf32>
    %sub3A_236 = arith.subf %add3A_233, %sub3A_235 : vector<128x64xf32>
    %reduce_sum3A_237 = arith.constant dense<0.000000e+00> : vector<64xf32>
    %reduce_sum3A_238 = vector.multi_reduction <add>, %slice3A_229, %reduce_sum3A_237 [0] : vector<128x64xf32> to vector<64xf32>
    %broadcast_in_dim3A_239 = vector.shape_cast %reduce_sum3A_238 : vector<64xf32> to vector<1x64xf32>
    %add3A_240 = arith.addf %add3A_204, %broadcast_in_dim3A_239 : vector<1x64xf32>
    %mul3A_241 = arith.mulf %sub3A_236, %slice3A_229 : vector<128x64xf32>
    %reduce_sum3A_242 = arith.constant dense<0.000000e+00> : vector<128xf32>
    %reduce_sum3A_243 = vector.multi_reduction <add>, %mul3A_241, %reduce_sum3A_242 [1] : vector<128x64xf32> to vector<128xf32>
    %broadcast_in_dim3A_244 = vector.shape_cast %reduce_sum3A_243 : vector<128xf32> to vector<128x1xf32>
    %lt3A_245 = arith.constant 6.400000e+01 : f32
    %lt3A_246 = vector.broadcast %lt3A_245 : f32 to vector<128x1xf32>
    %lt3A_247 = arith.cmpf olt, %broadcast_in_dim3A_244, %lt3A_246 : vector<128x1xf32>
    %slice3A_248 = vector.extract_strided_slice %broadcast_in_dim3A_42 {offsets = [640, 0], sizes = [128, 1], strides = [1, 1]} : vector<2048x1xi32> to vector<128x1xi32>
    %iota3A_249 = tpu.iota {dimensions = array<i32: 0>} : vector<128x1xi32>
    %mul3A_250 = arith.constant 64 : i32
    %mul3A_251 = vector.broadcast %mul3A_250 : i32 to vector<128x1xi32>
    %mul3A_252 = arith.muli %slice3A_248, %mul3A_251 : vector<128x1xi32>
    %convert_element_type3A_253 = arith.fptosi %broadcast_in_dim3A_244 : vector<128x1xf32> to vector<128x1xi32>
    %add3A_254 = arith.addi %mul3A_252, %convert_element_type3A_253 : vector<128x1xi32>
    %and3A_255 = arith.constant 15 : i32
    %and3A_256 = vector.broadcast %and3A_255 : i32 to vector<128x1xi32>
    %and3A_257 = arith.andi %iota3A_249, %and3A_256 : vector<128x1xi32>
    %add3A_258 = arith.constant 4096 : i32
    %add3A_259 = vector.broadcast %add3A_258 : i32 to vector<128x1xi32>
    %add3A_260 = arith.addi %add3A_259, %and3A_257 : vector<128x1xi32>
    %select_n3A_261 = arith.select %lt3A_247, %add3A_254, %add3A_260 : vector<128x1xi1>, vector<128x1xi32>
    %swap3A_262 = arith.constant 640 : index
    %swap3A_263 = arith.constant 0 : index
    %swap3A_264 = vector.load %arg7[%swap3A_262, %swap3A_263] : memref<2048x1xi32, #tpu.memory_space<vmem>>, vector<128x1xi32>
    tpu.vector_store %arg7[%swap3A_262, %swap3A_263], %select_n3A_261 {strides = array<i32>} : memref<2048x1xi32, #tpu.memory_space<vmem>>, vector<128x1xi32>,
    %slice3A_265 = vector.extract_strided_slice %convert_element_type3A_46 {offsets = [768, 0], sizes = [128, 64], strides = [1, 1]} : vector<2048x64xf32> to vector<128x64xf32>
    %dot_general3A_266 = arith.constant dense<0.000000e+00> : vector<128x64xf32>
    %dot_general3A_267 = tpu.matmul %convert_element_type3A_50, %slice3A_265, %dot_general3A_266 {dimension_numbers = #tpu.dot_dimension_numbers<[1], [0], [0], [1], [0, 0, 1, 1], [], []>, transpose_lhs_hint = false} : vector<128x128xf32>, vector<128x64xf32>, vector<128x64xf32> -> vector<128x64xf32>
    %add3A_268 = vector.broadcast %add3A_240 : vector<1x64xf32> to vector<128x64xf32>
    %add3A_269 = arith.addf %dot_general3A_267, %add3A_268 : vector<128x64xf32>
    %sub3A_270 = arith.constant 1.000000e+00 : f32
    %sub3A_271 = vector.broadcast %sub3A_270 : f32 to vector<128x64xf32>
    %sub3A_272 = arith.subf %add3A_269, %sub3A_271 : vector<128x64xf32>
    %reduce_sum3A_273 = arith.constant dense<0.000000e+00> : vector<64xf32>
    %reduce_sum3A_274 = vector.multi_reduction <add>, %slice3A_265, %reduce_sum3A_273 [0] : vector<128x64xf32> to vector<64xf32>
    %broadcast_in_dim3A_275 = vector.shape_cast %reduce_sum3A_274 : vector<64xf32> to vector<1x64xf32>
    %add3A_276 = arith.addf %add3A_240, %broadcast_in_dim3A_275 : vector<1x64xf32>
    %mul3A_277 = arith.mulf %sub3A_272, %slice3A_265 : vector<128x64xf32>
    %reduce_sum3A_278 = arith.constant dense<0.000000e+00> : vector<128xf32>
    %reduce_sum3A_279 = vector.multi_reduction <add>, %mul3A_277, %reduce_sum3A_278 [1] : vector<128x64xf32> to vector<128xf32>
    %broadcast_in_dim3A_280 = vector.shape_cast %reduce_sum3A_279 : vector<128xf32> to vector<128x1xf32>
    %lt3A_281 = arith.constant 6.400000e+01 : f32
    %lt3A_282 = vector.broadcast %lt3A_281 : f32 to vector<128x1xf32>
    %lt3A_283 = arith.cmpf olt, %broadcast_in_dim3A_280, %lt3A_282 : vector<128x1xf32>
    %slice3A_284 = vector.extract_strided_slice %broadcast_in_dim3A_42 {offsets = [768, 0], sizes = [128, 1], strides = [1, 1]} : vector<2048x1xi32> to vector<128x1xi32>
    %iota3A_285 = tpu.iota {dimensions = array<i32: 0>} : vector<128x1xi32>
    %mul3A_286 = arith.constant 64 : i32
    %mul3A_287 = vector.broadcast %mul3A_286 : i32 to vector<128x1xi32>
    %mul3A_288 = arith.muli %slice3A_284, %mul3A_287 : vector<128x1xi32>
    %convert_element_type3A_289 = arith.fptosi %broadcast_in_dim3A_280 : vector<128x1xf32> to vector<128x1xi32>
    %add3A_290 = arith.addi %mul3A_288, %convert_element_type3A_289 : vector<128x1xi32>
    %and3A_291 = arith.constant 15 : i32
    %and3A_292 = vector.broadcast %and3A_291 : i32 to vector<128x1xi32>
    %and3A_293 = arith.andi %iota3A_285, %and3A_292 : vector<128x1xi32>
    %add3A_294 = arith.constant 4096 : i32
    %add3A_295 = vector.broadcast %add3A_294 : i32 to vector<128x1xi32>
    %add3A_296 = arith.addi %add3A_295, %and3A_293 : vector<128x1xi32>
    %select_n3A_297 = arith.select %lt3A_283, %add3A_290, %add3A_296 : vector<128x1xi1>, vector<128x1xi32>
    %swap3A_298 = arith.constant 768 : index
    %swap3A_299 = arith.constant 0 : index
    %swap3A_300 = vector.load %arg7[%swap3A_298, %swap3A_299] : memref<2048x1xi32, #tpu.memory_space<vmem>>, vector<128x1xi32>
    tpu.vector_store %arg7[%swap3A_298, %swap3A_299], %select_n3A_297 {strides = array<i32>} : memref<2048x1xi32, #tpu.memory_space<vmem>>, vector<128x1xi32>,
    %slice3A_301 = vector.extract_strided_slice %convert_element_type3A_46 {offsets = [896, 0], sizes = [128, 64], strides = [1, 1]} : vector<2048x64xf32> to vector<128x64xf32>
    %dot_general3A_302 = arith.constant dense<0.000000e+00> : vector<128x64xf32>
    %dot_general3A_303 = tpu.matmul %convert_element_type3A_50, %slice3A_301, %dot_general3A_302 {dimension_numbers = #tpu.dot_dimension_numbers<[1], [0], [0], [1], [0, 0, 1, 1], [], []>, transpose_lhs_hint = false} : vector<128x128xf32>, vector<128x64xf32>, vector<128x64xf32> -> vector<128x64xf32>
    %add3A_304 = vector.broadcast %add3A_276 : vector<1x64xf32> to vector<128x64xf32>
    %add3A_305 = arith.addf %dot_general3A_303, %add3A_304 : vector<128x64xf32>
    %sub3A_306 = arith.constant 1.000000e+00 : f32
    %sub3A_307 = vector.broadcast %sub3A_306 : f32 to vector<128x64xf32>
    %sub3A_308 = arith.subf %add3A_305, %sub3A_307 : vector<128x64xf32>
    %reduce_sum3A_309 = arith.constant dense<0.000000e+00> : vector<64xf32>
    %reduce_sum3A_310 = vector.multi_reduction <add>, %slice3A_301, %reduce_sum3A_309 [0] : vector<128x64xf32> to vector<64xf32>
    %broadcast_in_dim3A_311 = vector.shape_cast %reduce_sum3A_310 : vector<64xf32> to vector<1x64xf32>
    %add3A_312 = arith.addf %add3A_276, %broadcast_in_dim3A_311 : vector<1x64xf32>
    %mul3A_313 = arith.mulf %sub3A_308, %slice3A_301 : vector<128x64xf32>
    %reduce_sum3A_314 = arith.constant dense<0.000000e+00> : vector<128xf32>
    %reduce_sum3A_315 = vector.multi_reduction <add>, %mul3A_313, %reduce_sum3A_314 [1] : vector<128x64xf32> to vector<128xf32>
    %broadcast_in_dim3A_316 = vector.shape_cast %reduce_sum3A_315 : vector<128xf32> to vector<128x1xf32>
    %lt3A_317 = arith.constant 6.400000e+01 : f32
    %lt3A_318 = vector.broadcast %lt3A_317 : f32 to vector<128x1xf32>
    %lt3A_319 = arith.cmpf olt, %broadcast_in_dim3A_316, %lt3A_318 : vector<128x1xf32>
    %slice3A_320 = vector.extract_strided_slice %broadcast_in_dim3A_42 {offsets = [896, 0], sizes = [128, 1], strides = [1, 1]} : vector<2048x1xi32> to vector<128x1xi32>
    %iota3A_321 = tpu.iota {dimensions = array<i32: 0>} : vector<128x1xi32>
    %mul3A_322 = arith.constant 64 : i32
    %mul3A_323 = vector.broadcast %mul3A_322 : i32 to vector<128x1xi32>
    %mul3A_324 = arith.muli %slice3A_320, %mul3A_323 : vector<128x1xi32>
    %convert_element_type3A_325 = arith.fptosi %broadcast_in_dim3A_316 : vector<128x1xf32> to vector<128x1xi32>
    %add3A_326 = arith.addi %mul3A_324, %convert_element_type3A_325 : vector<128x1xi32>
    %and3A_327 = arith.constant 15 : i32
    %and3A_328 = vector.broadcast %and3A_327 : i32 to vector<128x1xi32>
    %and3A_329 = arith.andi %iota3A_321, %and3A_328 : vector<128x1xi32>
    %add3A_330 = arith.constant 4096 : i32
    %add3A_331 = vector.broadcast %add3A_330 : i32 to vector<128x1xi32>
    %add3A_332 = arith.addi %add3A_331, %and3A_329 : vector<128x1xi32>
    %select_n3A_333 = arith.select %lt3A_319, %add3A_326, %add3A_332 : vector<128x1xi1>, vector<128x1xi32>
    %swap3A_334 = arith.constant 896 : index
    %swap3A_335 = arith.constant 0 : index
    %swap3A_336 = vector.load %arg7[%swap3A_334, %swap3A_335] : memref<2048x1xi32, #tpu.memory_space<vmem>>, vector<128x1xi32>
    tpu.vector_store %arg7[%swap3A_334, %swap3A_335], %select_n3A_333 {strides = array<i32>} : memref<2048x1xi32, #tpu.memory_space<vmem>>, vector<128x1xi32>,
    %slice3A_337 = vector.extract_strided_slice %convert_element_type3A_46 {offsets = [1024, 0], sizes = [128, 64], strides = [1, 1]} : vector<2048x64xf32> to vector<128x64xf32>
    %dot_general3A_338 = arith.constant dense<0.000000e+00> : vector<128x64xf32>
    %dot_general3A_339 = tpu.matmul %convert_element_type3A_50, %slice3A_337, %dot_general3A_338 {dimension_numbers = #tpu.dot_dimension_numbers<[1], [0], [0], [1], [0, 0, 1, 1], [], []>, transpose_lhs_hint = false} : vector<128x128xf32>, vector<128x64xf32>, vector<128x64xf32> -> vector<128x64xf32>
    %add3A_340 = vector.broadcast %add3A_312 : vector<1x64xf32> to vector<128x64xf32>
    %add3A_341 = arith.addf %dot_general3A_339, %add3A_340 : vector<128x64xf32>
    %sub3A_342 = arith.constant 1.000000e+00 : f32
    %sub3A_343 = vector.broadcast %sub3A_342 : f32 to vector<128x64xf32>
    %sub3A_344 = arith.subf %add3A_341, %sub3A_343 : vector<128x64xf32>
    %reduce_sum3A_345 = arith.constant dense<0.000000e+00> : vector<64xf32>
    %reduce_sum3A_346 = vector.multi_reduction <add>, %slice3A_337, %reduce_sum3A_345 [0] : vector<128x64xf32> to vector<64xf32>
    %broadcast_in_dim3A_347 = vector.shape_cast %reduce_sum3A_346 : vector<64xf32> to vector<1x64xf32>
    %add3A_348 = arith.addf %add3A_312, %broadcast_in_dim3A_347 : vector<1x64xf32>
    %mul3A_349 = arith.mulf %sub3A_344, %slice3A_337 : vector<128x64xf32>
    %reduce_sum3A_350 = arith.constant dense<0.000000e+00> : vector<128xf32>
    %reduce_sum3A_351 = vector.multi_reduction <add>, %mul3A_349, %reduce_sum3A_350 [1] : vector<128x64xf32> to vector<128xf32>
    %broadcast_in_dim3A_352 = vector.shape_cast %reduce_sum3A_351 : vector<128xf32> to vector<128x1xf32>
    %lt3A_353 = arith.constant 6.400000e+01 : f32
    %lt3A_354 = vector.broadcast %lt3A_353 : f32 to vector<128x1xf32>
    %lt3A_355 = arith.cmpf olt, %broadcast_in_dim3A_352, %lt3A_354 : vector<128x1xf32>
    %slice3A_356 = vector.extract_strided_slice %broadcast_in_dim3A_42 {offsets = [1024, 0], sizes = [128, 1], strides = [1, 1]} : vector<2048x1xi32> to vector<128x1xi32>
    %iota3A_357 = tpu.iota {dimensions = array<i32: 0>} : vector<128x1xi32>
    %mul3A_358 = arith.constant 64 : i32
    %mul3A_359 = vector.broadcast %mul3A_358 : i32 to vector<128x1xi32>
    %mul3A_360 = arith.muli %slice3A_356, %mul3A_359 : vector<128x1xi32>
    %convert_element_type3A_361 = arith.fptosi %broadcast_in_dim3A_352 : vector<128x1xf32> to vector<128x1xi32>
    %add3A_362 = arith.addi %mul3A_360, %convert_element_type3A_361 : vector<128x1xi32>
    %and3A_363 = arith.constant 15 : i32
    %and3A_364 = vector.broadcast %and3A_363 : i32 to vector<128x1xi32>
    %and3A_365 = arith.andi %iota3A_357, %and3A_364 : vector<128x1xi32>
    %add3A_366 = arith.constant 4096 : i32
    %add3A_367 = vector.broadcast %add3A_366 : i32 to vector<128x1xi32>
    %add3A_368 = arith.addi %add3A_367, %and3A_365 : vector<128x1xi32>
    %select_n3A_369 = arith.select %lt3A_355, %add3A_362, %add3A_368 : vector<128x1xi1>, vector<128x1xi32>
    %swap3A_370 = arith.constant 1024 : index
    %swap3A_371 = arith.constant 0 : index
    %swap3A_372 = vector.load %arg7[%swap3A_370, %swap3A_371] : memref<2048x1xi32, #tpu.memory_space<vmem>>, vector<128x1xi32>
    tpu.vector_store %arg7[%swap3A_370, %swap3A_371], %select_n3A_369 {strides = array<i32>} : memref<2048x1xi32, #tpu.memory_space<vmem>>, vector<128x1xi32>,
    %slice3A_373 = vector.extract_strided_slice %convert_element_type3A_46 {offsets = [1152, 0], sizes = [128, 64], strides = [1, 1]} : vector<2048x64xf32> to vector<128x64xf32>
    %dot_general3A_374 = arith.constant dense<0.000000e+00> : vector<128x64xf32>
    %dot_general3A_375 = tpu.matmul %convert_element_type3A_50, %slice3A_373, %dot_general3A_374 {dimension_numbers = #tpu.dot_dimension_numbers<[1], [0], [0], [1], [0, 0, 1, 1], [], []>, transpose_lhs_hint = false} : vector<128x128xf32>, vector<128x64xf32>, vector<128x64xf32> -> vector<128x64xf32>
    %add3A_376 = vector.broadcast %add3A_348 : vector<1x64xf32> to vector<128x64xf32>
    %add3A_377 = arith.addf %dot_general3A_375, %add3A_376 : vector<128x64xf32>
    %sub3A_378 = arith.constant 1.000000e+00 : f32
    %sub3A_379 = vector.broadcast %sub3A_378 : f32 to vector<128x64xf32>
    %sub3A_380 = arith.subf %add3A_377, %sub3A_379 : vector<128x64xf32>
    %reduce_sum3A_381 = arith.constant dense<0.000000e+00> : vector<64xf32>
    %reduce_sum3A_382 = vector.multi_reduction <add>, %slice3A_373, %reduce_sum3A_381 [0] : vector<128x64xf32> to vector<64xf32>
    %broadcast_in_dim3A_383 = vector.shape_cast %reduce_sum3A_382 : vector<64xf32> to vector<1x64xf32>
    %add3A_384 = arith.addf %add3A_348, %broadcast_in_dim3A_383 : vector<1x64xf32>
    %mul3A_385 = arith.mulf %sub3A_380, %slice3A_373 : vector<128x64xf32>
    %reduce_sum3A_386 = arith.constant dense<0.000000e+00> : vector<128xf32>
    %reduce_sum3A_387 = vector.multi_reduction <add>, %mul3A_385, %reduce_sum3A_386 [1] : vector<128x64xf32> to vector<128xf32>
    %broadcast_in_dim3A_388 = vector.shape_cast %reduce_sum3A_387 : vector<128xf32> to vector<128x1xf32>
    %lt3A_389 = arith.constant 6.400000e+01 : f32
    %lt3A_390 = vector.broadcast %lt3A_389 : f32 to vector<128x1xf32>
    %lt3A_391 = arith.cmpf olt, %broadcast_in_dim3A_388, %lt3A_390 : vector<128x1xf32>
    %slice3A_392 = vector.extract_strided_slice %broadcast_in_dim3A_42 {offsets = [1152, 0], sizes = [128, 1], strides = [1, 1]} : vector<2048x1xi32> to vector<128x1xi32>
    %iota3A_393 = tpu.iota {dimensions = array<i32: 0>} : vector<128x1xi32>
    %mul3A_394 = arith.constant 64 : i32
    %mul3A_395 = vector.broadcast %mul3A_394 : i32 to vector<128x1xi32>
    %mul3A_396 = arith.muli %slice3A_392, %mul3A_395 : vector<128x1xi32>
    %convert_element_type3A_397 = arith.fptosi %broadcast_in_dim3A_388 : vector<128x1xf32> to vector<128x1xi32>
    %add3A_398 = arith.addi %mul3A_396, %convert_element_type3A_397 : vector<128x1xi32>
    %and3A_399 = arith.constant 15 : i32
    %and3A_400 = vector.broadcast %and3A_399 : i32 to vector<128x1xi32>
    %and3A_401 = arith.andi %iota3A_393, %and3A_400 : vector<128x1xi32>
    %add3A_402 = arith.constant 4096 : i32
    %add3A_403 = vector.broadcast %add3A_402 : i32 to vector<128x1xi32>
    %add3A_404 = arith.addi %add3A_403, %and3A_401 : vector<128x1xi32>
    %select_n3A_405 = arith.select %lt3A_391, %add3A_398, %add3A_404 : vector<128x1xi1>, vector<128x1xi32>
    %swap3A_406 = arith.constant 1152 : index
    %swap3A_407 = arith.constant 0 : index
    %swap3A_408 = vector.load %arg7[%swap3A_406, %swap3A_407] : memref<2048x1xi32, #tpu.memory_space<vmem>>, vector<128x1xi32>
    tpu.vector_store %arg7[%swap3A_406, %swap3A_407], %select_n3A_405 {strides = array<i32>} : memref<2048x1xi32, #tpu.memory_space<vmem>>, vector<128x1xi32>,
    %slice3A_409 = vector.extract_strided_slice %convert_element_type3A_46 {offsets = [1280, 0], sizes = [128, 64], strides = [1, 1]} : vector<2048x64xf32> to vector<128x64xf32>
    %dot_general3A_410 = arith.constant dense<0.000000e+00> : vector<128x64xf32>
    %dot_general3A_411 = tpu.matmul %convert_element_type3A_50, %slice3A_409, %dot_general3A_410 {dimension_numbers = #tpu.dot_dimension_numbers<[1], [0], [0], [1], [0, 0, 1, 1], [], []>, transpose_lhs_hint = false} : vector<128x128xf32>, vector<128x64xf32>, vector<128x64xf32> -> vector<128x64xf32>
    %add3A_412 = vector.broadcast %add3A_384 : vector<1x64xf32> to vector<128x64xf32>
    %add3A_413 = arith.addf %dot_general3A_411, %add3A_412 : vector<128x64xf32>
    %sub3A_414 = arith.constant 1.000000e+00 : f32
    %sub3A_415 = vector.broadcast %sub3A_414 : f32 to vector<128x64xf32>
    %sub3A_416 = arith.subf %add3A_413, %sub3A_415 : vector<128x64xf32>
    %reduce_sum3A_417 = arith.constant dense<0.000000e+00> : vector<64xf32>
    %reduce_sum3A_418 = vector.multi_reduction <add>, %slice3A_409, %reduce_sum3A_417 [0] : vector<128x64xf32> to vector<64xf32>
    %broadcast_in_dim3A_419 = vector.shape_cast %reduce_sum3A_418 : vector<64xf32> to vector<1x64xf32>
    %add3A_420 = arith.addf %add3A_384, %broadcast_in_dim3A_419 : vector<1x64xf32>
    %mul3A_421 = arith.mulf %sub3A_416, %slice3A_409 : vector<128x64xf32>
    %reduce_sum3A_422 = arith.constant dense<0.000000e+00> : vector<128xf32>
    %reduce_sum3A_423 = vector.multi_reduction <add>, %mul3A_421, %reduce_sum3A_422 [1] : vector<128x64xf32> to vector<128xf32>
    %broadcast_in_dim3A_424 = vector.shape_cast %reduce_sum3A_423 : vector<128xf32> to vector<128x1xf32>
    %lt3A_425 = arith.constant 6.400000e+01 : f32
    %lt3A_426 = vector.broadcast %lt3A_425 : f32 to vector<128x1xf32>
    %lt3A_427 = arith.cmpf olt, %broadcast_in_dim3A_424, %lt3A_426 : vector<128x1xf32>
    %slice3A_428 = vector.extract_strided_slice %broadcast_in_dim3A_42 {offsets = [1280, 0], sizes = [128, 1], strides = [1, 1]} : vector<2048x1xi32> to vector<128x1xi32>
    %iota3A_429 = tpu.iota {dimensions = array<i32: 0>} : vector<128x1xi32>
    %mul3A_430 = arith.constant 64 : i32
    %mul3A_431 = vector.broadcast %mul3A_430 : i32 to vector<128x1xi32>
    %mul3A_432 = arith.muli %slice3A_428, %mul3A_431 : vector<128x1xi32>
    %convert_element_type3A_433 = arith.fptosi %broadcast_in_dim3A_424 : vector<128x1xf32> to vector<128x1xi32>
    %add3A_434 = arith.addi %mul3A_432, %convert_element_type3A_433 : vector<128x1xi32>
    %and3A_435 = arith.constant 15 : i32
    %and3A_436 = vector.broadcast %and3A_435 : i32 to vector<128x1xi32>
    %and3A_437 = arith.andi %iota3A_429, %and3A_436 : vector<128x1xi32>
    %add3A_438 = arith.constant 4096 : i32
    %add3A_439 = vector.broadcast %add3A_438 : i32 to vector<128x1xi32>
    %add3A_440 = arith.addi %add3A_439, %and3A_437 : vector<128x1xi32>
    %select_n3A_441 = arith.select %lt3A_427, %add3A_434, %add3A_440 : vector<128x1xi1>, vector<128x1xi32>
    %swap3A_442 = arith.constant 1280 : index
    %swap3A_443 = arith.constant 0 : index
    %swap3A_444 = vector.load %arg7[%swap3A_442, %swap3A_443] : memref<2048x1xi32, #tpu.memory_space<vmem>>, vector<128x1xi32>
    tpu.vector_store %arg7[%swap3A_442, %swap3A_443], %select_n3A_441 {strides = array<i32>} : memref<2048x1xi32, #tpu.memory_space<vmem>>, vector<128x1xi32>,
    %slice3A_445 = vector.extract_strided_slice %convert_element_type3A_46 {offsets = [1408, 0], sizes = [128, 64], strides = [1, 1]} : vector<2048x64xf32> to vector<128x64xf32>
    %dot_general3A_446 = arith.constant dense<0.000000e+00> : vector<128x64xf32>
    %dot_general3A_447 = tpu.matmul %convert_element_type3A_50, %slice3A_445, %dot_general3A_446 {dimension_numbers = #tpu.dot_dimension_numbers<[1], [0], [0], [1], [0, 0, 1, 1], [], []>, transpose_lhs_hint = false} : vector<128x128xf32>, vector<128x64xf32>, vector<128x64xf32> -> vector<128x64xf32>
    %add3A_448 = vector.broadcast %add3A_420 : vector<1x64xf32> to vector<128x64xf32>
    %add3A_449 = arith.addf %dot_general3A_447, %add3A_448 : vector<128x64xf32>
    %sub3A_450 = arith.constant 1.000000e+00 : f32
    %sub3A_451 = vector.broadcast %sub3A_450 : f32 to vector<128x64xf32>
    %sub3A_452 = arith.subf %add3A_449, %sub3A_451 : vector<128x64xf32>
    %reduce_sum3A_453 = arith.constant dense<0.000000e+00> : vector<64xf32>
    %reduce_sum3A_454 = vector.multi_reduction <add>, %slice3A_445, %reduce_sum3A_453 [0] : vector<128x64xf32> to vector<64xf32>
    %broadcast_in_dim3A_455 = vector.shape_cast %reduce_sum3A_454 : vector<64xf32> to vector<1x64xf32>
    %add3A_456 = arith.addf %add3A_420, %broadcast_in_dim3A_455 : vector<1x64xf32>
    %mul3A_457 = arith.mulf %sub3A_452, %slice3A_445 : vector<128x64xf32>
    %reduce_sum3A_458 = arith.constant dense<0.000000e+00> : vector<128xf32>
    %reduce_sum3A_459 = vector.multi_reduction <add>, %mul3A_457, %reduce_sum3A_458 [1] : vector<128x64xf32> to vector<128xf32>
    %broadcast_in_dim3A_460 = vector.shape_cast %reduce_sum3A_459 : vector<128xf32> to vector<128x1xf32>
    %lt3A_461 = arith.constant 6.400000e+01 : f32
    %lt3A_462 = vector.broadcast %lt3A_461 : f32 to vector<128x1xf32>
    %lt3A_463 = arith.cmpf olt, %broadcast_in_dim3A_460, %lt3A_462 : vector<128x1xf32>
    %slice3A_464 = vector.extract_strided_slice %broadcast_in_dim3A_42 {offsets = [1408, 0], sizes = [128, 1], strides = [1, 1]} : vector<2048x1xi32> to vector<128x1xi32>
    %iota3A_465 = tpu.iota {dimensions = array<i32: 0>} : vector<128x1xi32>
    %mul3A_466 = arith.constant 64 : i32
    %mul3A_467 = vector.broadcast %mul3A_466 : i32 to vector<128x1xi32>
    %mul3A_468 = arith.muli %slice3A_464, %mul3A_467 : vector<128x1xi32>
    %convert_element_type3A_469 = arith.fptosi %broadcast_in_dim3A_460 : vector<128x1xf32> to vector<128x1xi32>
    %add3A_470 = arith.addi %mul3A_468, %convert_element_type3A_469 : vector<128x1xi32>
    %and3A_471 = arith.constant 15 : i32
    %and3A_472 = vector.broadcast %and3A_471 : i32 to vector<128x1xi32>
    %and3A_473 = arith.andi %iota3A_465, %and3A_472 : vector<128x1xi32>
    %add3A_474 = arith.constant 4096 : i32
    %add3A_475 = vector.broadcast %add3A_474 : i32 to vector<128x1xi32>
    %add3A_476 = arith.addi %add3A_475, %and3A_473 : vector<128x1xi32>
    %select_n3A_477 = arith.select %lt3A_463, %add3A_470, %add3A_476 : vector<128x1xi1>, vector<128x1xi32>
    %swap3A_478 = arith.constant 1408 : index
    %swap3A_479 = arith.constant 0 : index
    %swap3A_480 = vector.load %arg7[%swap3A_478, %swap3A_479] : memref<2048x1xi32, #tpu.memory_space<vmem>>, vector<128x1xi32>
    tpu.vector_store %arg7[%swap3A_478, %swap3A_479], %select_n3A_477 {strides = array<i32>} : memref<2048x1xi32, #tpu.memory_space<vmem>>, vector<128x1xi32>,
    %slice3A_481 = vector.extract_strided_slice %convert_element_type3A_46 {offsets = [1536, 0], sizes = [128, 64], strides = [1, 1]} : vector<2048x64xf32> to vector<128x64xf32>
    %dot_general3A_482 = arith.constant dense<0.000000e+00> : vector<128x64xf32>
    %dot_general3A_483 = tpu.matmul %convert_element_type3A_50, %slice3A_481, %dot_general3A_482 {dimension_numbers = #tpu.dot_dimension_numbers<[1], [0], [0], [1], [0, 0, 1, 1], [], []>, transpose_lhs_hint = false} : vector<128x128xf32>, vector<128x64xf32>, vector<128x64xf32> -> vector<128x64xf32>
    %add3A_484 = vector.broadcast %add3A_456 : vector<1x64xf32> to vector<128x64xf32>
    %add3A_485 = arith.addf %dot_general3A_483, %add3A_484 : vector<128x64xf32>
    %sub3A_486 = arith.constant 1.000000e+00 : f32
    %sub3A_487 = vector.broadcast %sub3A_486 : f32 to vector<128x64xf32>
    %sub3A_488 = arith.subf %add3A_485, %sub3A_487 : vector<128x64xf32>
    %reduce_sum3A_489 = arith.constant dense<0.000000e+00> : vector<64xf32>
    %reduce_sum3A_490 = vector.multi_reduction <add>, %slice3A_481, %reduce_sum3A_489 [0] : vector<128x64xf32> to vector<64xf32>
    %broadcast_in_dim3A_491 = vector.shape_cast %reduce_sum3A_490 : vector<64xf32> to vector<1x64xf32>
    %add3A_492 = arith.addf %add3A_456, %broadcast_in_dim3A_491 : vector<1x64xf32>
    %mul3A_493 = arith.mulf %sub3A_488, %slice3A_481 : vector<128x64xf32>
    %reduce_sum3A_494 = arith.constant dense<0.000000e+00> : vector<128xf32>
    %reduce_sum3A_495 = vector.multi_reduction <add>, %mul3A_493, %reduce_sum3A_494 [1] : vector<128x64xf32> to vector<128xf32>
    %broadcast_in_dim3A_496 = vector.shape_cast %reduce_sum3A_495 : vector<128xf32> to vector<128x1xf32>
    %lt3A_497 = arith.constant 6.400000e+01 : f32
    %lt3A_498 = vector.broadcast %lt3A_497 : f32 to vector<128x1xf32>
    %lt3A_499 = arith.cmpf olt, %broadcast_in_dim3A_496, %lt3A_498 : vector<128x1xf32>
    %slice3A_500 = vector.extract_strided_slice %broadcast_in_dim3A_42 {offsets = [1536, 0], sizes = [128, 1], strides = [1, 1]} : vector<2048x1xi32> to vector<128x1xi32>
    %iota3A_501 = tpu.iota {dimensions = array<i32: 0>} : vector<128x1xi32>
    %mul3A_502 = arith.constant 64 : i32
    %mul3A_503 = vector.broadcast %mul3A_502 : i32 to vector<128x1xi32>
    %mul3A_504 = arith.muli %slice3A_500, %mul3A_503 : vector<128x1xi32>
    %convert_element_type3A_505 = arith.fptosi %broadcast_in_dim3A_496 : vector<128x1xf32> to vector<128x1xi32>
    %add3A_506 = arith.addi %mul3A_504, %convert_element_type3A_505 : vector<128x1xi32>
    %and3A_507 = arith.constant 15 : i32
    %and3A_508 = vector.broadcast %and3A_507 : i32 to vector<128x1xi32>
    %and3A_509 = arith.andi %iota3A_501, %and3A_508 : vector<128x1xi32>
    %add3A_510 = arith.constant 4096 : i32
    %add3A_511 = vector.broadcast %add3A_510 : i32 to vector<128x1xi32>
    %add3A_512 = arith.addi %add3A_511, %and3A_509 : vector<128x1xi32>
    %select_n3A_513 = arith.select %lt3A_499, %add3A_506, %add3A_512 : vector<128x1xi1>, vector<128x1xi32>
    %swap3A_514 = arith.constant 1536 : index
    %swap3A_515 = arith.constant 0 : index
    %swap3A_516 = vector.load %arg7[%swap3A_514, %swap3A_515] : memref<2048x1xi32, #tpu.memory_space<vmem>>, vector<128x1xi32>
    tpu.vector_store %arg7[%swap3A_514, %swap3A_515], %select_n3A_513 {strides = array<i32>} : memref<2048x1xi32, #tpu.memory_space<vmem>>, vector<128x1xi32>,
    %slice3A_517 = vector.extract_strided_slice %convert_element_type3A_46 {offsets = [1664, 0], sizes = [128, 64], strides = [1, 1]} : vector<2048x64xf32> to vector<128x64xf32>
    %dot_general3A_518 = arith.constant dense<0.000000e+00> : vector<128x64xf32>
    %dot_general3A_519 = tpu.matmul %convert_element_type3A_50, %slice3A_517, %dot_general3A_518 {dimension_numbers = #tpu.dot_dimension_numbers<[1], [0], [0], [1], [0, 0, 1, 1], [], []>, transpose_lhs_hint = false} : vector<128x128xf32>, vector<128x64xf32>, vector<128x64xf32> -> vector<128x64xf32>
    %add3A_520 = vector.broadcast %add3A_492 : vector<1x64xf32> to vector<128x64xf32>
    %add3A_521 = arith.addf %dot_general3A_519, %add3A_520 : vector<128x64xf32>
    %sub3A_522 = arith.constant 1.000000e+00 : f32
    %sub3A_523 = vector.broadcast %sub3A_522 : f32 to vector<128x64xf32>
    %sub3A_524 = arith.subf %add3A_521, %sub3A_523 : vector<128x64xf32>
    %reduce_sum3A_525 = arith.constant dense<0.000000e+00> : vector<64xf32>
    %reduce_sum3A_526 = vector.multi_reduction <add>, %slice3A_517, %reduce_sum3A_525 [0] : vector<128x64xf32> to vector<64xf32>
    %broadcast_in_dim3A_527 = vector.shape_cast %reduce_sum3A_526 : vector<64xf32> to vector<1x64xf32>
    %add3A_528 = arith.addf %add3A_492, %broadcast_in_dim3A_527 : vector<1x64xf32>
    %mul3A_529 = arith.mulf %sub3A_524, %slice3A_517 : vector<128x64xf32>
    %reduce_sum3A_530 = arith.constant dense<0.000000e+00> : vector<128xf32>
    %reduce_sum3A_531 = vector.multi_reduction <add>, %mul3A_529, %reduce_sum3A_530 [1] : vector<128x64xf32> to vector<128xf32>
    %broadcast_in_dim3A_532 = vector.shape_cast %reduce_sum3A_531 : vector<128xf32> to vector<128x1xf32>
    %lt3A_533 = arith.constant 6.400000e+01 : f32
    %lt3A_534 = vector.broadcast %lt3A_533 : f32 to vector<128x1xf32>
    %lt3A_535 = arith.cmpf olt, %broadcast_in_dim3A_532, %lt3A_534 : vector<128x1xf32>
    %slice3A_536 = vector.extract_strided_slice %broadcast_in_dim3A_42 {offsets = [1664, 0], sizes = [128, 1], strides = [1, 1]} : vector<2048x1xi32> to vector<128x1xi32>
    %iota3A_537 = tpu.iota {dimensions = array<i32: 0>} : vector<128x1xi32>
    %mul3A_538 = arith.constant 64 : i32
    %mul3A_539 = vector.broadcast %mul3A_538 : i32 to vector<128x1xi32>
    %mul3A_540 = arith.muli %slice3A_536, %mul3A_539 : vector<128x1xi32>
    %convert_element_type3A_541 = arith.fptosi %broadcast_in_dim3A_532 : vector<128x1xf32> to vector<128x1xi32>
    %add3A_542 = arith.addi %mul3A_540, %convert_element_type3A_541 : vector<128x1xi32>
    %and3A_543 = arith.constant 15 : i32
    %and3A_544 = vector.broadcast %and3A_543 : i32 to vector<128x1xi32>
    %and3A_545 = arith.andi %iota3A_537, %and3A_544 : vector<128x1xi32>
    %add3A_546 = arith.constant 4096 : i32
    %add3A_547 = vector.broadcast %add3A_546 : i32 to vector<128x1xi32>
    %add3A_548 = arith.addi %add3A_547, %and3A_545 : vector<128x1xi32>
    %select_n3A_549 = arith.select %lt3A_535, %add3A_542, %add3A_548 : vector<128x1xi1>, vector<128x1xi32>
    %swap3A_550 = arith.constant 1664 : index
    %swap3A_551 = arith.constant 0 : index
    %swap3A_552 = vector.load %arg7[%swap3A_550, %swap3A_551] : memref<2048x1xi32, #tpu.memory_space<vmem>>, vector<128x1xi32>
    tpu.vector_store %arg7[%swap3A_550, %swap3A_551], %select_n3A_549 {strides = array<i32>} : memref<2048x1xi32, #tpu.memory_space<vmem>>, vector<128x1xi32>,
    %slice3A_553 = vector.extract_strided_slice %convert_element_type3A_46 {offsets = [1792, 0], sizes = [128, 64], strides = [1, 1]} : vector<2048x64xf32> to vector<128x64xf32>
    %dot_general3A_554 = arith.constant dense<0.000000e+00> : vector<128x64xf32>
    %dot_general3A_555 = tpu.matmul %convert_element_type3A_50, %slice3A_553, %dot_general3A_554 {dimension_numbers = #tpu.dot_dimension_numbers<[1], [0], [0], [1], [0, 0, 1, 1], [], []>, transpose_lhs_hint = false} : vector<128x128xf32>, vector<128x64xf32>, vector<128x64xf32> -> vector<128x64xf32>
    %add3A_556 = vector.broadcast %add3A_528 : vector<1x64xf32> to vector<128x64xf32>
    %add3A_557 = arith.addf %dot_general3A_555, %add3A_556 : vector<128x64xf32>
    %sub3A_558 = arith.constant 1.000000e+00 : f32
    %sub3A_559 = vector.broadcast %sub3A_558 : f32 to vector<128x64xf32>
    %sub3A_560 = arith.subf %add3A_557, %sub3A_559 : vector<128x64xf32>
    %reduce_sum3A_561 = arith.constant dense<0.000000e+00> : vector<64xf32>
    %reduce_sum3A_562 = vector.multi_reduction <add>, %slice3A_553, %reduce_sum3A_561 [0] : vector<128x64xf32> to vector<64xf32>
    %broadcast_in_dim3A_563 = vector.shape_cast %reduce_sum3A_562 : vector<64xf32> to vector<1x64xf32>
    %add3A_564 = arith.addf %add3A_528, %broadcast_in_dim3A_563 : vector<1x64xf32>
    %mul3A_565 = arith.mulf %sub3A_560, %slice3A_553 : vector<128x64xf32>
    %reduce_sum3A_566 = arith.constant dense<0.000000e+00> : vector<128xf32>
    %reduce_sum3A_567 = vector.multi_reduction <add>, %mul3A_565, %reduce_sum3A_566 [1] : vector<128x64xf32> to vector<128xf32>
    %broadcast_in_dim3A_568 = vector.shape_cast %reduce_sum3A_567 : vector<128xf32> to vector<128x1xf32>
    %lt3A_569 = arith.constant 6.400000e+01 : f32
    %lt3A_570 = vector.broadcast %lt3A_569 : f32 to vector<128x1xf32>
    %lt3A_571 = arith.cmpf olt, %broadcast_in_dim3A_568, %lt3A_570 : vector<128x1xf32>
    %slice3A_572 = vector.extract_strided_slice %broadcast_in_dim3A_42 {offsets = [1792, 0], sizes = [128, 1], strides = [1, 1]} : vector<2048x1xi32> to vector<128x1xi32>
    %iota3A_573 = tpu.iota {dimensions = array<i32: 0>} : vector<128x1xi32>
    %mul3A_574 = arith.constant 64 : i32
    %mul3A_575 = vector.broadcast %mul3A_574 : i32 to vector<128x1xi32>
    %mul3A_576 = arith.muli %slice3A_572, %mul3A_575 : vector<128x1xi32>
    %convert_element_type3A_577 = arith.fptosi %broadcast_in_dim3A_568 : vector<128x1xf32> to vector<128x1xi32>
    %add3A_578 = arith.addi %mul3A_576, %convert_element_type3A_577 : vector<128x1xi32>
    %and3A_579 = arith.constant 15 : i32
    %and3A_580 = vector.broadcast %and3A_579 : i32 to vector<128x1xi32>
    %and3A_581 = arith.andi %iota3A_573, %and3A_580 : vector<128x1xi32>
    %add3A_582 = arith.constant 4096 : i32
    %add3A_583 = vector.broadcast %add3A_582 : i32 to vector<128x1xi32>
    %add3A_584 = arith.addi %add3A_583, %and3A_581 : vector<128x1xi32>
    %select_n3A_585 = arith.select %lt3A_571, %add3A_578, %add3A_584 : vector<128x1xi1>, vector<128x1xi32>
    %swap3A_586 = arith.constant 1792 : index
    %swap3A_587 = arith.constant 0 : index
    %swap3A_588 = vector.load %arg7[%swap3A_586, %swap3A_587] : memref<2048x1xi32, #tpu.memory_space<vmem>>, vector<128x1xi32>
    tpu.vector_store %arg7[%swap3A_586, %swap3A_587], %select_n3A_585 {strides = array<i32>} : memref<2048x1xi32, #tpu.memory_space<vmem>>, vector<128x1xi32>,
    %slice3A_589 = vector.extract_strided_slice %convert_element_type3A_46 {offsets = [1920, 0], sizes = [128, 64], strides = [1, 1]} : vector<2048x64xf32> to vector<128x64xf32>
    %dot_general3A_590 = arith.constant dense<0.000000e+00> : vector<128x64xf32>
    %dot_general3A_591 = tpu.matmul %convert_element_type3A_50, %slice3A_589, %dot_general3A_590 {dimension_numbers = #tpu.dot_dimension_numbers<[1], [0], [0], [1], [0, 0, 1, 1], [], []>, transpose_lhs_hint = false} : vector<128x128xf32>, vector<128x64xf32>, vector<128x64xf32> -> vector<128x64xf32>
    %add3A_592 = vector.broadcast %add3A_564 : vector<1x64xf32> to vector<128x64xf32>
    %add3A_593 = arith.addf %dot_general3A_591, %add3A_592 : vector<128x64xf32>
    %sub3A_594 = arith.constant 1.000000e+00 : f32
    %sub3A_595 = vector.broadcast %sub3A_594 : f32 to vector<128x64xf32>
    %sub3A_596 = arith.subf %add3A_593, %sub3A_595 : vector<128x64xf32>
    %mul3A_597 = arith.mulf %sub3A_596, %slice3A_589 : vector<128x64xf32>
    %reduce_sum3A_598 = arith.constant dense<0.000000e+00> : vector<128xf32>
    %reduce_sum3A_599 = vector.multi_reduction <add>, %mul3A_597, %reduce_sum3A_598 [1] : vector<128x64xf32> to vector<128xf32>
    %broadcast_in_dim3A_600 = vector.shape_cast %reduce_sum3A_599 : vector<128xf32> to vector<128x1xf32>
    %lt3A_601 = arith.constant 6.400000e+01 : f32
    %lt3A_602 = vector.broadcast %lt3A_601 : f32 to vector<128x1xf32>
    %lt3A_603 = arith.cmpf olt, %broadcast_in_dim3A_600, %lt3A_602 : vector<128x1xf32>
    %slice3A_604 = vector.extract_strided_slice %broadcast_in_dim3A_42 {offsets = [1920, 0], sizes = [128, 1], strides = [1, 1]} : vector<2048x1xi32> to vector<128x1xi32>
    %iota3A_605 = tpu.iota {dimensions = array<i32: 0>} : vector<128x1xi32>
    %mul3A_606 = arith.constant 64 : i32
    %mul3A_607 = vector.broadcast %mul3A_606 : i32 to vector<128x1xi32>
    %mul3A_608 = arith.muli %slice3A_604, %mul3A_607 : vector<128x1xi32>
    %convert_element_type3A_609 = arith.fptosi %broadcast_in_dim3A_600 : vector<128x1xf32> to vector<128x1xi32>
    %add3A_610 = arith.addi %mul3A_608, %convert_element_type3A_609 : vector<128x1xi32>
    %and3A_611 = arith.constant 15 : i32
    %and3A_612 = vector.broadcast %and3A_611 : i32 to vector<128x1xi32>
    %and3A_613 = arith.andi %iota3A_605, %and3A_612 : vector<128x1xi32>
    %add3A_614 = arith.constant 4096 : i32
    %add3A_615 = vector.broadcast %add3A_614 : i32 to vector<128x1xi32>
    %add3A_616 = arith.addi %add3A_615, %and3A_613 : vector<128x1xi32>
    %select_n3A_617 = arith.select %lt3A_603, %add3A_610, %add3A_616 : vector<128x1xi1>, vector<128x1xi32>
    %swap3A_618 = arith.constant 1920 : index
    %swap3A_619 = arith.constant 0 : index
    %swap3A_620 = vector.load %arg7[%swap3A_618, %swap3A_619] : memref<2048x1xi32, #tpu.memory_space<vmem>>, vector<128x1xi32>
    tpu.vector_store %arg7[%swap3A_618, %swap3A_619], %select_n3A_617 {strides = array<i32>} : memref<2048x1xi32, #tpu.memory_space<vmem>>, vector<128x1xi32>,
    %reduce_sum3A_621 = arith.constant dense<0.000000e+00> : vector<768xf32>
    %reduce_sum3A_622 = vector.multi_reduction <add>, %get3A_1, %reduce_sum3A_621 [0] : vector<2048x768xf32> to vector<768xf32>
    %broadcast_in_dim3A_623 = vector.shape_cast %reduce_sum3A_622 : vector<768xf32> to vector<1x768xf32>
    %swap3A_624 = arith.constant 0 : index
    %swap3A_625 = arith.constant 0 : index
    %swap3A_626 = vector.load %arg9[%swap3A_624, %swap3A_625] : memref<1x768xf32, #tpu.memory_space<vmem>>, vector<1x768xf32>
    tpu.vector_store %arg9[%swap3A_624, %swap3A_625], %broadcast_in_dim3A_623 {strides = array<i32>} : memref<1x768xf32, #tpu.memory_space<vmem>>, vector<1x768xf32>,
    return
  }
}

module attributes {stable_mosaic.version = 14 : i64} {
  func.func @_ffn_body(%arg0: i32, %arg1: memref<2x64x768xf32, #tpu.memory_space<vmem>>, %arg2: memref<2x768x1024xf32, #tpu.memory_space<vmem>>, %arg3: memref<64x1x1024xf32, #tpu.memory_space<vmem>>, %arg4: memref<2x1024x768xf32, #tpu.memory_space<vmem>>, %arg5: memref<64x1x768xf32, #tpu.memory_space<vmem>>, %arg6: memref<64x1x64xf32, #tpu.memory_space<vmem>>, %arg7: memref<64x64x1xf32, #tpu.memory_space<vmem>>, %arg8: memref<1x768xf32, #tpu.memory_space<vmem>>, %arg9: memref<768x2xf32, #tpu.memory_space<vmem>>, %arg10: memref<1x2xf32, #tpu.memory_space<vmem>>, %arg11: memref<1x2xf32, #tpu.memory_space<vmem>>, %arg12: memref<1x768xf32, #tpu.memory_space<vmem>>) attributes {dimension_semantics = [#tpu.dimension_semantics<arbitrary>], iteration_bounds = array<i64: 32>, scalar_prefetch = 0 : i64, scratch_operands = 1 : i64, tpu.core_type = #tpu.core_type<tc>, window_params = [{transform_indices = @transform_0, window_bounds = array<i64: 2, 64, 768>}, {transform_indices = @transform_1, window_bounds = array<i64: 2, 768, 1024>}, {pipeline_mode = #tpu.pipeline_mode<synchronous>, transform_indices = @transform_2, window_bounds = array<i64: 64, 1, 1024>}, {transform_indices = @transform_3, window_bounds = array<i64: 2, 1024, 768>}, {pipeline_mode = #tpu.pipeline_mode<synchronous>, transform_indices = @transform_4, window_bounds = array<i64: 64, 1, 768>}, {pipeline_mode = #tpu.pipeline_mode<synchronous>, transform_indices = @transform_5, window_bounds = array<i64: 64, 1, 64>}, {pipeline_mode = #tpu.pipeline_mode<synchronous>, transform_indices = @transform_6, window_bounds = array<i64: 64, 64, 1>}, {pipeline_mode = #tpu.pipeline_mode<synchronous>, transform_indices = @transform_7, window_bounds = array<i64: 1, 768>}, {pipeline_mode = #tpu.pipeline_mode<synchronous>, transform_indices = @transform_8, window_bounds = array<i64: 768, 2>}, {pipeline_mode = #tpu.pipeline_mode<synchronous>, transform_indices = @transform_9, window_bounds = array<i64: 1, 2>}, {pipeline_mode = #tpu.pipeline_mode<synchronous>, transform_indices = @transform_10, window_bounds = array<i64: 1, 2>}]} {
    %eq3A = arith.constant 0 : i32
    %eq3A_0 = arith.cmpi eq, %arg0, %eq3A : i32
    %convert_element_type3A = arith.extui %eq3A_0 : i1 to i32
    %cond3A = arith.constant 0 : i32
    %cond3A_1 = arith.cmpi ne, %convert_element_type3A, %cond3A : i32
    scf.if %cond3A_1 {
      %broadcast_in_dim3A_131 = arith.constant 0.000000e+00 : f32
      %broadcast_in_dim3A_132 = vector.broadcast %broadcast_in_dim3A_131 : f32 to vector<1x768xf32>
      %swap3A_133 = arith.constant 0 : index
      %swap3A_134 = arith.constant 0 : index
      %swap3A_135 = vector.load %arg12[%swap3A_133, %swap3A_134] : memref<1x768xf32, #tpu.memory_space<vmem>>, vector<1x768xf32>
      tpu.vector_store %arg12[%swap3A_133, %swap3A_134], %broadcast_in_dim3A_132 {strides = array<i32>} : memref<1x768xf32, #tpu.memory_space<vmem>>, vector<1x768xf32>,
    } else {
    }
    %get3A = arith.constant 0 : index
    %get3A_2 = arith.constant 0 : index
    %get3A_3 = vector.load %arg12[%get3A, %get3A_2] : memref<1x768xf32, #tpu.memory_space<vmem>>, vector<1x768xf32>
    %mul3A = arith.constant 2 : i32
    %mul3A_4 = arith.muli %arg0, %mul3A : i32
    %add3A = arith.constant 0 : i32
    %add3A_5 = arith.addi %mul3A_4, %add3A : i32
    %get3A_6 = arith.index_cast %add3A_5 : i32 to index
    %get3A_7 = arith.constant 0 : index
    %get3A_8 = arith.constant 0 : index
    %get3A_9 = vector.load %arg7[%get3A_6, %get3A_7, %get3A_8] : memref<64x64x1xf32, #tpu.memory_space<vmem>>, vector<1x64x1xf32>
    %squeeze3A = vector.shape_cast %get3A_9 : vector<1x64x1xf32> to vector<64x1xf32>
    %gt3A = arith.constant 0.000000e+00 : f32
    %gt3A_10 = vector.broadcast %gt3A : f32 to vector<64x1xf32>
    %gt3A_11 = arith.cmpf ogt, %squeeze3A, %gt3A_10 : vector<64x1xf32>
    %get3A_12 = arith.constant 0 : index
    %get3A_13 = arith.constant 0 : index
    %get3A_14 = arith.constant 0 : index
    %get3A_15 = vector.load %arg1[%get3A_12, %get3A_13, %get3A_14] : memref<2x64x768xf32, #tpu.memory_space<vmem>>, vector<1x64x768xf32>
    %get3A_16 = vector.shape_cast %get3A_15 : vector<1x64x768xf32> to vector<64x768xf32>
    %jit3A = arith.constant 0.000000e+00 : f32
    %broadcast_in_dim3A = vector.shape_cast %gt3A_11 : vector<64x1xi1> to vector<64x1xi1>
    %broadcast_in_dim3A_17 = vector.broadcast %broadcast_in_dim3A : vector<64x1xi1> to vector<64x768xi1>
    %broadcast_in_dim3A_18 = vector.broadcast %jit3A : f32 to vector<64x768xf32>
    %select_n3A = arith.select %broadcast_in_dim3A_17, %get3A_16, %broadcast_in_dim3A_18 : vector<64x768xi1>, vector<64x768xf32>
    %get3A_19 = arith.constant 0 : index
    %get3A_20 = arith.constant 0 : index
    %get3A_21 = arith.constant 0 : index
    %get3A_22 = vector.load %arg2[%get3A_19, %get3A_20, %get3A_21] : memref<2x768x1024xf32, #tpu.memory_space<vmem>>, vector<1x768x1024xf32>
    %get3A_23 = vector.shape_cast %get3A_22 : vector<1x768x1024xf32> to vector<768x1024xf32>
    %dot_general3A = arith.constant dense<0.000000e+00> : vector<64x1024xf32>
    %dot_general3A_24 = tpu.matmul %select_n3A, %get3A_23, %dot_general3A {dimension_numbers = #tpu.dot_dimension_numbers<[1], [0], [0], [1], [0, 0, 1, 1], [], []>, transpose_lhs_hint = false} : vector<64x768xf32>, vector<768x1024xf32>, vector<64x1024xf32> -> vector<64x1024xf32>
    %get3A_25 = arith.index_cast %add3A_5 : i32 to index
    %get3A_26 = arith.constant 0 : index
    %get3A_27 = arith.constant 0 : index
    %get3A_28 = vector.load %arg3[%get3A_25, %get3A_26, %get3A_27] : memref<64x1x1024xf32, #tpu.memory_space<vmem>>, vector<1x1x1024xf32>
    %squeeze3A_29 = vector.shape_cast %get3A_28 : vector<1x1x1024xf32> to vector<1x1024xf32>
    %add3A_30 = vector.broadcast %squeeze3A_29 : vector<1x1024xf32> to vector<64x1024xf32>
    %add3A_31 = arith.addf %dot_general3A_24, %add3A_30 : vector<64x1024xf32>
    %max3A = arith.constant 0.000000e+00 : f32
    %max3A_32 = vector.broadcast %max3A : f32 to vector<64x1024xf32>
    %max3A_33 = arith.maximumf %add3A_31, %max3A_32 : vector<64x1024xf32>
    %get3A_34 = arith.index_cast %add3A_5 : i32 to index
    %get3A_35 = arith.constant 0 : index
    %get3A_36 = arith.constant 0 : index
    %get3A_37 = vector.load %arg6[%get3A_34, %get3A_35, %get3A_36] : memref<64x1x64xf32, #tpu.memory_space<vmem>>, vector<1x1x64xf32>
    %squeeze3A_38 = vector.shape_cast %get3A_37 : vector<1x1x64xf32> to vector<1x64xf32>
    %dot_general3A_39 = arith.constant dense<0.000000e+00> : vector<1x1024xf32>
    %dot_general3A_40 = tpu.matmul %squeeze3A_38, %max3A_33, %dot_general3A_39 {dimension_numbers = #tpu.dot_dimension_numbers<[1], [0], [0], [1], [0, 0, 1, 1], [], []>, transpose_lhs_hint = false} : vector<1x64xf32>, vector<64x1024xf32>, vector<1x1024xf32> -> vector<1x1024xf32>
    %get3A_41 = arith.constant 0 : index
    %get3A_42 = arith.constant 0 : index
    %get3A_43 = arith.constant 0 : index
    %get3A_44 = vector.load %arg4[%get3A_41, %get3A_42, %get3A_43] : memref<2x1024x768xf32, #tpu.memory_space<vmem>>, vector<1x1024x768xf32>
    %get3A_45 = vector.shape_cast %get3A_44 : vector<1x1024x768xf32> to vector<1024x768xf32>
    %dot_general3A_46 = arith.constant dense<0.000000e+00> : vector<1x768xf32>
    %dot_general3A_47 = tpu.matmul %dot_general3A_40, %get3A_45, %dot_general3A_46 {dimension_numbers = #tpu.dot_dimension_numbers<[1], [0], [0], [1], [0, 0, 1, 1], [], []>, transpose_lhs_hint = false} : vector<1x1024xf32>, vector<1024x768xf32>, vector<1x768xf32> -> vector<1x768xf32>
    %reduce_sum3A = arith.constant dense<0.000000e+00> : vector<1xf32>
    %reduce_sum3A_48 = vector.multi_reduction <add>, %squeeze3A_38, %reduce_sum3A [1] : vector<1x64xf32> to vector<1xf32>
    %broadcast_in_dim3A_49 = vector.shape_cast %reduce_sum3A_48 : vector<1xf32> to vector<1x1xf32>
    %add3A_50 = arith.addf %get3A_3, %dot_general3A_47 : vector<1x768xf32>
    %get3A_51 = arith.index_cast %add3A_5 : i32 to index
    %get3A_52 = arith.constant 0 : index
    %get3A_53 = arith.constant 0 : index
    %get3A_54 = vector.load %arg5[%get3A_51, %get3A_52, %get3A_53] : memref<64x1x768xf32, #tpu.memory_space<vmem>>, vector<1x1x768xf32>
    %squeeze3A_55 = vector.shape_cast %get3A_54 : vector<1x1x768xf32> to vector<1x768xf32>
    %mul3A_56 = vector.broadcast %broadcast_in_dim3A_49 : vector<1x1xf32> to vector<1x768xf32>
    %mul3A_57 = arith.mulf %mul3A_56, %squeeze3A_55 : vector<1x768xf32>
    %add3A_58 = arith.addf %add3A_50, %mul3A_57 : vector<1x768xf32>
    %mul3A_59 = arith.constant 2 : i32
    %mul3A_60 = arith.muli %arg0, %mul3A_59 : i32
    %add3A_61 = arith.constant 1 : i32
    %add3A_62 = arith.addi %mul3A_60, %add3A_61 : i32
    %get3A_63 = arith.index_cast %add3A_62 : i32 to index
    %get3A_64 = arith.constant 0 : index
    %get3A_65 = arith.constant 0 : index
    %get3A_66 = vector.load %arg7[%get3A_63, %get3A_64, %get3A_65] : memref<64x64x1xf32, #tpu.memory_space<vmem>>, vector<1x64x1xf32>
    %squeeze3A_67 = vector.shape_cast %get3A_66 : vector<1x64x1xf32> to vector<64x1xf32>
    %gt3A_68 = arith.constant 0.000000e+00 : f32
    %gt3A_69 = vector.broadcast %gt3A_68 : f32 to vector<64x1xf32>
    %gt3A_70 = arith.cmpf ogt, %squeeze3A_67, %gt3A_69 : vector<64x1xf32>
    %get3A_71 = arith.constant 1 : index
    %get3A_72 = arith.constant 0 : index
    %get3A_73 = arith.constant 0 : index
    %get3A_74 = vector.load %arg1[%get3A_71, %get3A_72, %get3A_73] : memref<2x64x768xf32, #tpu.memory_space<vmem>>, vector<1x64x768xf32>
    %get3A_75 = vector.shape_cast %get3A_74 : vector<1x64x768xf32> to vector<64x768xf32>
    %jit3A_76 = arith.constant 0.000000e+00 : f32
    %broadcast_in_dim3A_77 = vector.shape_cast %gt3A_70 : vector<64x1xi1> to vector<64x1xi1>
    %broadcast_in_dim3A_78 = vector.broadcast %broadcast_in_dim3A_77 : vector<64x1xi1> to vector<64x768xi1>
    %broadcast_in_dim3A_79 = vector.broadcast %jit3A_76 : f32 to vector<64x768xf32>
    %select_n3A_80 = arith.select %broadcast_in_dim3A_78, %get3A_75, %broadcast_in_dim3A_79 : vector<64x768xi1>, vector<64x768xf32>
    %get3A_81 = arith.constant 1 : index
    %get3A_82 = arith.constant 0 : index
    %get3A_83 = arith.constant 0 : index
    %get3A_84 = vector.load %arg2[%get3A_81, %get3A_82, %get3A_83] : memref<2x768x1024xf32, #tpu.memory_space<vmem>>, vector<1x768x1024xf32>
    %get3A_85 = vector.shape_cast %get3A_84 : vector<1x768x1024xf32> to vector<768x1024xf32>
    %dot_general3A_86 = arith.constant dense<0.000000e+00> : vector<64x1024xf32>
    %dot_general3A_87 = tpu.matmul %select_n3A_80, %get3A_85, %dot_general3A_86 {dimension_numbers = #tpu.dot_dimension_numbers<[1], [0], [0], [1], [0, 0, 1, 1], [], []>, transpose_lhs_hint = false} : vector<64x768xf32>, vector<768x1024xf32>, vector<64x1024xf32> -> vector<64x1024xf32>
    %get3A_88 = arith.index_cast %add3A_62 : i32 to index
    %get3A_89 = arith.constant 0 : index
    %get3A_90 = arith.constant 0 : index
    %get3A_91 = vector.load %arg3[%get3A_88, %get3A_89, %get3A_90] : memref<64x1x1024xf32, #tpu.memory_space<vmem>>, vector<1x1x1024xf32>
    %squeeze3A_92 = vector.shape_cast %get3A_91 : vector<1x1x1024xf32> to vector<1x1024xf32>
    %add3A_93 = vector.broadcast %squeeze3A_92 : vector<1x1024xf32> to vector<64x1024xf32>
    %add3A_94 = arith.addf %dot_general3A_87, %add3A_93 : vector<64x1024xf32>
    %max3A_95 = arith.constant 0.000000e+00 : f32
    %max3A_96 = vector.broadcast %max3A_95 : f32 to vector<64x1024xf32>
    %max3A_97 = arith.maximumf %add3A_94, %max3A_96 : vector<64x1024xf32>
    %get3A_98 = arith.index_cast %add3A_62 : i32 to index
    %get3A_99 = arith.constant 0 : index
    %get3A_100 = arith.constant 0 : index
    %get3A_101 = vector.load %arg6[%get3A_98, %get3A_99, %get3A_100] : memref<64x1x64xf32, #tpu.memory_space<vmem>>, vector<1x1x64xf32>
    %squeeze3A_102 = vector.shape_cast %get3A_101 : vector<1x1x64xf32> to vector<1x64xf32>
    %dot_general3A_103 = arith.constant dense<0.000000e+00> : vector<1x1024xf32>
    %dot_general3A_104 = tpu.matmul %squeeze3A_102, %max3A_97, %dot_general3A_103 {dimension_numbers = #tpu.dot_dimension_numbers<[1], [0], [0], [1], [0, 0, 1, 1], [], []>, transpose_lhs_hint = false} : vector<1x64xf32>, vector<64x1024xf32>, vector<1x1024xf32> -> vector<1x1024xf32>
    %get3A_105 = arith.constant 1 : index
    %get3A_106 = arith.constant 0 : index
    %get3A_107 = arith.constant 0 : index
    %get3A_108 = vector.load %arg4[%get3A_105, %get3A_106, %get3A_107] : memref<2x1024x768xf32, #tpu.memory_space<vmem>>, vector<1x1024x768xf32>
    %get3A_109 = vector.shape_cast %get3A_108 : vector<1x1024x768xf32> to vector<1024x768xf32>
    %dot_general3A_110 = arith.constant dense<0.000000e+00> : vector<1x768xf32>
    %dot_general3A_111 = tpu.matmul %dot_general3A_104, %get3A_109, %dot_general3A_110 {dimension_numbers = #tpu.dot_dimension_numbers<[1], [0], [0], [1], [0, 0, 1, 1], [], []>, transpose_lhs_hint = false} : vector<1x1024xf32>, vector<1024x768xf32>, vector<1x768xf32> -> vector<1x768xf32>
    %reduce_sum3A_112 = arith.constant dense<0.000000e+00> : vector<1xf32>
    %reduce_sum3A_113 = vector.multi_reduction <add>, %squeeze3A_102, %reduce_sum3A_112 [1] : vector<1x64xf32> to vector<1xf32>
    %broadcast_in_dim3A_114 = vector.shape_cast %reduce_sum3A_113 : vector<1xf32> to vector<1x1xf32>
    %add3A_115 = arith.addf %add3A_58, %dot_general3A_111 : vector<1x768xf32>
    %get3A_116 = arith.index_cast %add3A_62 : i32 to index
    %get3A_117 = arith.constant 0 : index
    %get3A_118 = arith.constant 0 : index
    %get3A_119 = vector.load %arg5[%get3A_116, %get3A_117, %get3A_118] : memref<64x1x768xf32, #tpu.memory_space<vmem>>, vector<1x1x768xf32>
    %squeeze3A_120 = vector.shape_cast %get3A_119 : vector<1x1x768xf32> to vector<1x768xf32>
    %mul3A_121 = vector.broadcast %broadcast_in_dim3A_114 : vector<1x1xf32> to vector<1x768xf32>
    %mul3A_122 = arith.mulf %mul3A_121, %squeeze3A_120 : vector<1x768xf32>
    %add3A_123 = arith.addf %add3A_115, %mul3A_122 : vector<1x768xf32>
    %swap3A = arith.constant 0 : index
    %swap3A_124 = arith.constant 0 : index
    %swap3A_125 = vector.load %arg12[%swap3A, %swap3A_124] : memref<1x768xf32, #tpu.memory_space<vmem>>, vector<1x768xf32>
    tpu.vector_store %arg12[%swap3A, %swap3A_124], %add3A_123 {strides = array<i32>} : memref<1x768xf32, #tpu.memory_space<vmem>>, vector<1x768xf32>,
    %eq3A_126 = arith.constant 31 : i32
    %eq3A_127 = arith.cmpi eq, %arg0, %eq3A_126 : i32
    %convert_element_type3A_128 = arith.extui %eq3A_127 : i1 to i32
    %cond3A_129 = arith.constant 0 : i32
    %cond3A_130 = arith.cmpi ne, %convert_element_type3A_128, %cond3A_129 : i32
    scf.if %cond3A_130 {
      %get3A_131 = arith.constant 0 : index
      %get3A_132 = arith.constant 0 : index
      %get3A_133 = vector.load %arg8[%get3A_131, %get3A_132] : memref<1x768xf32, #tpu.memory_space<vmem>>, vector<1x768xf32>
      %add3A_134 = arith.addf %add3A_123, %get3A_133 : vector<1x768xf32>
      %mul3A_135 = arith.constant 4.8828125E-4 : f32
      %mul3A_136 = vector.broadcast %mul3A_135 : f32 to vector<1x768xf32>
      %mul3A_137 = arith.mulf %add3A_134, %mul3A_136 : vector<1x768xf32>
      %get3A_138 = arith.constant 0 : index
      %get3A_139 = arith.constant 0 : index
      %get3A_140 = vector.load %arg9[%get3A_138, %get3A_139] : memref<768x2xf32, #tpu.memory_space<vmem>>, vector<768x2xf32>
      %dot_general3A_141 = arith.constant dense<0.000000e+00> : vector<1x2xf32>
      %dot_general3A_142 = tpu.matmul %mul3A_137, %get3A_140, %dot_general3A_141 {dimension_numbers = #tpu.dot_dimension_numbers<[1], [0], [0], [1], [0, 0, 1, 1], [], []>, transpose_lhs_hint = false} : vector<1x768xf32>, vector<768x2xf32>, vector<1x2xf32> -> vector<1x2xf32>
      %get3A_143 = arith.constant 0 : index
      %get3A_144 = arith.constant 0 : index
      %get3A_145 = vector.load %arg10[%get3A_143, %get3A_144] : memref<1x2xf32, #tpu.memory_space<vmem>>, vector<1x2xf32>
      %add3A_146 = arith.addf %dot_general3A_142, %get3A_145 : vector<1x2xf32>
      %swap3A_147 = arith.constant 0 : index
      %swap3A_148 = arith.constant 0 : index
      %swap3A_149 = vector.load %arg11[%swap3A_147, %swap3A_148] : memref<1x2xf32, #tpu.memory_space<vmem>>, vector<1x2xf32>
      tpu.vector_store %arg11[%swap3A_147, %swap3A_148], %add3A_146 {strides = array<i32>} : memref<1x2xf32, #tpu.memory_space<vmem>>, vector<1x2xf32>,
    } else {
    }
    return
  }
  func.func @transform_0(%arg0: i32) -> (i32, i32, i32) {
    %c0_i32 = arith.constant 0 : i32
    %c0_i32_0 = arith.constant 0 : i32
    %c0_i32_1 = arith.constant 0 : i32
    return %arg0, %c0_i32, %c0_i32_0 : i32, i32, i32
  }
  func.func @transform_1(%arg0: i32) -> (i32, i32, i32) {
    %c0_i32 = arith.constant 0 : i32
    %c0_i32_0 = arith.constant 0 : i32
    %c0_i32_1 = arith.constant 0 : i32
    return %arg0, %c0_i32, %c0_i32_0 : i32, i32, i32
  }
  func.func @transform_2(%arg0: i32) -> (i32, i32, i32) {
    %c0_i32 = arith.constant 0 : i32
    %c0_i32_0 = arith.constant 0 : i32
    %c0_i32_1 = arith.constant 0 : i32
    %c0_i32_2 = arith.constant 0 : i32
    return %c0_i32, %c0_i32_0, %c0_i32_1 : i32, i32, i32
  }
  func.func @transform_3(%arg0: i32) -> (i32, i32, i32) {
    %c0_i32 = arith.constant 0 : i32
    %c0_i32_0 = arith.constant 0 : i32
    %c0_i32_1 = arith.constant 0 : i32
    return %arg0, %c0_i32, %c0_i32_0 : i32, i32, i32
  }
  func.func @transform_4(%arg0: i32) -> (i32, i32, i32) {
    %c0_i32 = arith.constant 0 : i32
    %c0_i32_0 = arith.constant 0 : i32
    %c0_i32_1 = arith.constant 0 : i32
    %c0_i32_2 = arith.constant 0 : i32
    return %c0_i32, %c0_i32_0, %c0_i32_1 : i32, i32, i32
  }
  func.func @transform_5(%arg0: i32) -> (i32, i32, i32) {
    %c0_i32 = arith.constant 0 : i32
    %c0_i32_0 = arith.constant 0 : i32
    %c0_i32_1 = arith.constant 0 : i32
    %c0_i32_2 = arith.constant 0 : i32
    return %c0_i32, %c0_i32_0, %c0_i32_1 : i32, i32, i32
  }
  func.func @transform_6(%arg0: i32) -> (i32, i32, i32) {
    %c0_i32 = arith.constant 0 : i32
    %c0_i32_0 = arith.constant 0 : i32
    %c0_i32_1 = arith.constant 0 : i32
    %c0_i32_2 = arith.constant 0 : i32
    return %c0_i32, %c0_i32_0, %c0_i32_1 : i32, i32, i32
  }
  func.func @transform_7(%arg0: i32) -> (i32, i32) {
    %c0_i32 = arith.constant 0 : i32
    %c0_i32_0 = arith.constant 0 : i32
    %c0_i32_1 = arith.constant 0 : i32
    return %c0_i32, %c0_i32_0 : i32, i32
  }
  func.func @transform_8(%arg0: i32) -> (i32, i32) {
    %c0_i32 = arith.constant 0 : i32
    %c0_i32_0 = arith.constant 0 : i32
    %c0_i32_1 = arith.constant 0 : i32
    return %c0_i32, %c0_i32_0 : i32, i32
  }
  func.func @transform_9(%arg0: i32) -> (i32, i32) {
    %c0_i32 = arith.constant 0 : i32
    %c0_i32_0 = arith.constant 0 : i32
    %c0_i32_1 = arith.constant 0 : i32
    return %c0_i32, %c0_i32_0 : i32, i32
  }
  func.func @transform_10(%arg0: i32) -> (i32, i32) {
    %c0_i32 = arith.constant 0 : i32
    %c0_i32_0 = arith.constant 0 : i32
    %c0_i32_1 = arith.constant 0 : i32
    return %c0_i32, %c0_i32_0 : i32, i32
  }
}

</mosaic_0001>

<sc_bundles>
// kernel: kernel.5.cloned.1.call-start
scs
__scs_entry_jumppad:
0x0: {  	(pc) =	sbr.rel $0x88, $3  }
0x1: {  	(tag) =	ssettag $0x0;
	lr =	simm.s32 $0x1  }
0x2: {  	[smem:$0x3F94] =	sst lr;
	_ =	strace $0xD0000000  }
0x3: {  	_ = 	snop  }
0x4: {  	_ = 	snop  }
0x5: {  	_ = 	snop  }
0x6: {  	_ = 	snop  }
0x7: {  	_ = 	snop  }
__scs_overlays_trampoline_lowered:
0x8: {  	[smem:$0x3FA3] =	sst s0  }
0x9: {  	[smem:$0x3FA4] =	sst s1  }
0xa: {  	[smem:$0x3FA5] =	sst s2  }
0xb: {  	[smem:$0x3FA6] =	sst s3  }
0xc: {  	[smem:$0x3FA7] =	sst s4  }
0xd: {  	[smem:$0x3FA8] =	sst s5  }
0xe: {  	[smem:$0x3FA9] =	sst s6  }
0xf: {  	[smem:$0x3FAA] =	sst s7  }
0x10: {  	[smem:$0x3FAB] =	sst s8  }
0x11: {  	[smem:$0x3FAC] =	sst s9;
	s0 =	simm.s32 @!p0 $0x0  }
0x12: {  	s1 =	sld [smem:$0x3F92];
	s0 =	simm.s32 @p0 $0x1  }
0x13: {  	[smem:$0x3FAD] =	sst s0;
	s0 =	simm.s32 @!p1 $0x0  }
0x14: {  	s2 =	sld [smem:$0x3F91];
	s0 =	simm.s32 @p1 $0x1  }
0x15: {  	[smem:$0x3FAE] =	sst s0;
	s0 =	simm.s32 @!p2 $0x0  }
0x16: {  	s3 =	sld [smem:$0x3FDB];
	s0 =	simm.s32 @p2 $0x1  }
0x17: {  	s4 =	simm.s32 $0x1BF5;
	[smem:$0x3FB0] =	sst s0  }
0x18: {  	s0 =	sld [smem:$0x3F93];
	_ =	swait.ge [sflag:s4], $0x0  }
0x19: {  	s7 =	sld [smem:$0x3F94]  }
0x1a: {  	s8 =	sadd.s32 $0xFFFFE003, lr  }
0x1b: {  	s9 =	sadd.s32 $0xFFFFFEF7, lr;
	s5 =	simm.s32 $0xFFFFFFFF;
	p2 =	slt.u32 s8, $0xFFFFF086  }
0x1c: {  	p1 =	slt.u32 s9, $0xF7A;
	s5 =	simm.s32 @!p2 $0x0  }
0x1d: {  	s5 =	simm.s32 @p1 $0x1;
	p0 =	seq.s32 s7, s2  }
0x1e: {  	s7 =	smul.u32 @!p0 $0xF7A, s2;
	p2 =	seq.s32 @!p0 s5, $0x0  }
0x1f: {  	s9 =	smul.u32 $0xF7A, s1;
	s8 =	simm.s32 @!p0 $0x1BF5;
	p2 =	por !p2, p0  }
0x20: {  	[sflag:s8] =	ssyncset.s32 @!p0 $0xFFFFF086;
	s6 =	sadd.s32 @!p0 s3, s7;
	s7 =	simm.s32 @!p0 $0x108  }
0x21: {  	s3 =	sadd.s32 s3, s9;
	s6 =	sadd.s32 @!p0 $0x88, s6;
	s7 =	simm.s32 @p2 $0x1082  }
0x22: {  	[simem:s7], [sflag:s8] =	dma.local @!p0 [hbm:s6], $0xF7A  }
0x23: {  	s9 =	sor.u32 $0xD0000000, s2;
	s6 =	simm.s32 $0x108;
	_ =	swait.ge @!p0 [sflag:s8], $0x0  }
0x24: {  	s3 =	sadd.s32 $0x88, s3;
	s6 =	simm.s32 @!p1 $0x1082;
	[sflag:s4] =	ssyncset.s32 $0xFFFFF086  }
0x25: {  	[simem:s6], [sflag:s4] =	dma.local [hbm:s3], $0xF7A  }
0x26: {  	[smem:$0x3F94] =	sst s1;
	(tag) =	ssettag s2;
	_ =	strace s9  }
0x27: {  	s1 =	sld [smem:$0x3FA4]  }
0x28: {  	s2 =	sld [smem:$0x3FA5]  }
0x29: {  	s4 =	sld [smem:$0x3FA7]  }
0x2a: {  	p0 =	seq.s32 s5, $0x0;
	s5 =	sld [smem:$0x3FA8]  }
0x2b: {  	s6 =	sld [smem:$0x3FA9]  }
0x2c: {  	s7 =	sld [smem:$0x3FAA]  }
0x2d: {  	s3 =	simm.s32 $0x108;
	s8 =	sld [smem:$0x3FAB]  }
0x2e: {  	s3 =	simm.s32 @!p0 $0x1082;
	s9 =	sld [smem:$0x3FAC]  }
0x2f: {  	lr =	sadd.s32 s0, s3;
	s0 =	sld [smem:$0x3FA3]  }
0x30: {  	s3 =	sld [smem:$0x3FA6]  }
0x31: {  	[smem:$0x3FAF] =	sst s10  }
0x32: {  	s10 =	sld [smem:$0x3FAD];
	_ =	sdelay $0x3  }
0x33: {  	p0 =	seq.s32 s10, $0x1;
	s10 =	sld [smem:$0x3FAF];
	_ =	sdelay $0x3  }
0x34: {  	[smem:$0x3FAF] =	sst s10  }
0x35: {  	s10 =	sld [smem:$0x3FAE];
	_ =	sdelay $0x3  }
0x36: {  	p1 =	seq.s32 s10, $0x1;
	s10 =	sld [smem:$0x3FAF];
	_ =	sdelay $0x3  }
0x37: {  	[smem:$0x3FAF] =	sst s10  }
0x38: {  	s10 =	sld [smem:$0x3FB0]  }
0x39: {  	_ = 	snop;
	(pc) =	sbr.ind lr, $3  }
0x3a: {  	_ = 	snop  }
0x3b: {  	_ = 	snop  }
0x3c: {  	p2 =	seq.s32 s10, $0x1;
	s10 =	sld [smem:$0x3FAF]  }
0x3d: {  	_ =	shalt  }
0x3e: {  	_ =	shalt  }
0x3f: {  	_ =	shalt  }
0x40: {  	_ =	shalt  }
0x41: {  	_ =	shalt  }
0x42: {  	_ =	shalt  }
0x43: {  	_ =	shalt  }
0x44: {  	_ =	shalt  }
0x45: {  	_ =	shalt  }
0x46: {  	_ =	shalt  }
0x47: {  	_ =	shalt  }
0x48: {  	_ =	shalt  }
0x49: {  	_ =	shalt  }
0x4a: {  	_ =	shalt  }
0x4b: {  	_ =	shalt  }
0x4c: {  	_ =	shalt  }
0x4d: {  	_ =	shalt  }
0x4e: {  	_ =	shalt  }
0x4f: {  	_ =	shalt  }
0x50: {  	_ =	shalt  }
0x51: {  	_ =	shalt  }
0x52: {  	_ =	shalt  }
0x53: {  	_ =	shalt  }
0x54: {  	_ =	shalt  }
0x55: {  	_ =	shalt  }
0x56: {  	_ =	shalt  }
0x57: {  	_ =	shalt  }
0x58: {  	_ =	shalt  }
0x59: {  	_ =	shalt  }
0x5a: {  	_ =	shalt  }
0x5b: {  	_ =	shalt  }
0x5c: {  	_ =	shalt  }
0x5d: {  	_ =	shalt  }
0x5e: {  	_ =	shalt  }
0x5f: {  	_ =	shalt  }
0x60: {  	_ =	shalt  }
0x61: {  	_ =	shalt  }
0x62: {  	_ =	shalt  }
0x63: {  	_ =	shalt  }
0x64: {  	_ =	shalt  }
0x65: {  	_ =	shalt  }
0x66: {  	_ =	shalt  }
0x67: {  	_ =	shalt  }
0x68: {  	_ =	shalt  }
0x69: {  	_ =	shalt  }
0x6a: {  	_ =	shalt  }
0x6b: {  	_ =	shalt  }
0x6c: {  	_ =	shalt  }
0x6d: {  	_ =	shalt  }
0x6e: {  	_ =	shalt  }
0x6f: {  	_ =	shalt  }
0x70: {  	_ =	shalt  }
0x71: {  	_ =	shalt  }
0x72: {  	_ =	shalt  }
0x73: {  	_ =	shalt  }
0x74: {  	_ =	shalt  }
0x75: {  	_ =	shalt  }
0x76: {  	_ =	shalt  }
0x77: {  	_ =	shalt  }
0x78: {  	_ =	shalt  }
0x79: {  	_ =	shalt  }
0x7a: {  	_ =	shalt  }
0x7b: {  	_ =	shalt  }
0x7c: {  	_ =	shalt  }
0x7d: {  	_ =	shalt  }
0x7e: {  	_ =	shalt  }
0x7f: {  	_ =	shalt  }
0x80: {  	_ =	shalt  }
0x81: {  	_ =	shalt  }
0x82: {  	_ =	shalt  }
0x83: {  	_ =	shalt  }
0x84: {  	_ =	shalt  }
0x85: {  	_ =	shalt  }
0x86: {  	_ =	shalt  }
0x87: {  	_ =	shalt  }
.Lfunc_end0:
.L_simem_size_0:
called_computation_lowered:
.L_overlay_start_0:
0x88: {  	s2 =	sld [smem:$0x3FD9]  }
0x89: {  	s3 =	sld [smem:$0x3FFE];
	_ =	sdelay $0x1  }
0x8a: {  	s1 =	srdreg.scid  }
0x8b: {  	s0 =	sand.u32 $0x1, s1  }
0x8c: {  	s17 =	sshll.u32 s0, $0xA;
	s2 =	sadd.s32 s3, s2  }
0x8d: {  	s2 =	sadd.s32 s2, s17  }
0x8e: {  	[smem:$0x3FBB] =	sst s2  }
0x8f: {  	_ = 	snop  }
0x90: {  	s2 =	sld [smem:$0x3FC9];
	(tm) =	ssettm $0x1  }
0x91: {  	s18 =	sld [smem:$0x3FFB];
	_ =	sdelay $0x3  }
0x92: {  	_ =	strace s18  }
0x93: {  	s3 =	sld [smem:$0x3FFC];
	_ =	sdelay $0x3  }
0x94: {  	_ =	strace s3  }
0x95: {  	s3 =	sld [smem:$0x3FFD];
	_ =	sdelay $0x3  }
0x96: {  	_ =	strace s3  }
0x97: {  	_ =	strace $0x8FFFFFFF  }
0x98: {  	s19 =	sld [smem:$0x3FDB];
	_ =	sdelay $0x1  }
0x99: {  	s4 =	simm.s32 $_scs_section_size  }
0x9a: {  	s5 =	simm.s32 $_size__tile_overlayer_lowered;
	s6 =	simm.s32 $_tile_overlayer_lowered  }
0x9b: {  	s22 =	simm.s32 $0x1BFF;
	s21 =	sshll.u32 s6, $0x1;
	s3 =	sadd.s32 s4, s19  }
0x9c: {  	s7 =	simm.s32 $0x0;
	s20 =	sshll.u32 s5, $0x1;
	s5 =	sadd.s32 s21, s3  }
0x9d: {  	[timem:s7], [sflag:s22] =	dma.local [hbm:s5], s20  }
0x9e: {  	_ =	swait.ge [sflag:s22], s20  }
0x9f: {  	s4 =	ssub.s32 $0x0, s20;
	[sflag:s22] =	ssyncset.done $0x0  }
0xa0: {  	[sflag:s22] =	ssyncadd.s32 s4;
	_ =	sdelay $0x1  }
0xa1: {  	s23 =	simm.s32 $0x1B8B  }
0xa2: {  	_ =	swait.ge [sflag:s23], $0x1  }
0xa3: {  	[sflag:s23] =	ssyncset.done $0x0  }
0xa4: {  	s25 =	simm.s32 $0x1B8E;
	s24 =	sld [smem:$0x3FFE];
	[sflag:s23] =	ssyncadd.s32 $0xFFFFFFFF  }
0xa5: {  	s26 =	simm.s32 $execute0_lowered;
	[smem:$0x3FD2] =	sst s25  }
0xa6: {  	s5 =	sshll.u32 s26, $0x1;
	_ =	strace $0x80000046;
	[dreg:$0x1] =	wrdreg $0xFFFFFFFF  }
0xa7: {  	s28 =	simm.s32 $_size_execute0_lowered;
	s3 =	sadd.s32 s3, s5;
	[dreg:$0x0] =	wrdreg $0x0  }
0xa8: {  	s5 =	sshll.u32 s28, $0x1;
	[dreg:$0x2] =	wrdreg s3  }
0xa9: {  	[dreg:$0x3] =	wrdreg s5  }
0xaa: {  	[dreg:$0x4] =	wrdreg $0xC0  }
0xab: {  	_ =	task [dreg:s7], $0x5FFFF  }
0xac: {  	[dreg:$0x1] =	wrdreg $0xFFFFFFFF  }
0xad: {  	[dreg:$0x0] =	wrdreg $0x60  }
0xae: {  	[dreg:$0x2] =	wrdreg s2  }
0xaf: {  	[dreg:$0x3] =	wrdreg s24  }
0xb0: {  	[dreg:$0x4] =	wrdreg $0x9  }
0xb1: {  	_ =	task.clear_ibuf [dreg:s7], $0x5FFFF;
	_ =	strace $0x90000046  }
0xb2: {  	s29 =	simm.s32 $0x9;
	_ =	strace $0x80000048  }
0xb3: {  	_ =	swait.ge [sflag:s29], $0x1  }
0xb4: {  	[sflag:s29] =	ssyncadd.s32 $0xFFFFFFFF  }
0xb5: {  	_ =	strace $0x90000048  }
0xb6: {  	_ =	sfence  }
0xb7: {  	s30 =	sld [smem:$0x0];
	_ =	sdelay $0x2  }
0xb8: {  	s31 =	sshll.u32 s1, $0xD;
	s1 =	sshrl.u32 s1, $0x2  }
0xb9: {  	s3 =	sand.u32 $0x4000, s31;
	s1 =	sadd.s32 s1, s30  }
0xba: {  	s0 =	sor.u32 s3, s0;
	s1 =	sshll.u32 s1, $0x11  }
0xbb: {  	s0 =	sor.u32 s1, s0  }
0xbc: {  	s0 =	sadd.s32 $0x8F2B, s0  }
0xbd: {  	[sflag:s0] =	ssyncadd.remote.s32 $0x1  }
0xbe: {  	_ =	sfence.sel $0xFFFF  }
0xbf: {  	[dreg:$0x0] =	wrdreg $0xFFFFFFFF;
	(pc) =	sbr.abs _section_cstart, $3  }
0xc0: {  	[dreg:$0x1] =	wrdreg $0xFFFFFFFF  }
0xc1: {  	_ =	task.clear_ibuf [dreg:s7], $0x2FFFF;
	_ =	strace $0x9FFFFFFF  }
0xc2: {  	(tm) =	ssettm $0x7FFFFFFF  }
0xc3: {  	_ =	shalt  }
tec
execute0_lowered:
.L_overlay_start_1:
0x0: {  	(tag) =	ssettag $0x1  }
0x1: {  	s0 =	rddreg [dreg:$0x0]  }
0x2: {  	s2 =	rddreg [dreg:$0x1]  }
0x3: {  	s1 =	simm.s32 $0x0;
	s5 =	srdreg.scid;
	s7 =	stileid.u32  }
0x4: {  	s14 =	simm.s32 $0x2100;
	s15 =	simm.s32 $0x2;
	s17 =	simm.s32 $0x1000  }
0x5: {  	s18 =	simm.s32 $0x1;
	s31 =	simm.s32 $0x8100;
	s16 =	simm.s32 $0x9900  }
0x6: {  	s19 =	simm.s32 $0xA100;
	s20 =	simm.s32 $0xA900;
	s21 =	simm.s32 $0xB100  }
0x7: {  	s22 =	simm.s32 $0xB900;
	s23 =	simm.s32 $0xC100;
	s24 =	simm.s32 $0xC900  }
0x8: {  	s25 =	simm.s32 $0xD100;
	s26 =	simm.s32 $0xD900;
	s28 =	simm.s32 $0x0  }
0x9: {  	[smem:$0x7FF] =	sst s1;
	s3 =	sadd.s32 $0x1200, s2;
	s4 =	sadd.s32 $0x1400, s2  }
0xa: {  	s6 =	sand.u32 $0x1, s5;
	s7 =	sshll.u32 s7, $0x1;
	s5 =	sadd.s32 $0x1800, s2  }
0xb: {  	s12 =	sadd.s32 $0x1A00, s2;
	s10 =	sor.u32 s6, s7;
	s6 =	ssub.s32 $0x2, s6  }
0xc: {  	s7 =	sshll.u32 s10, $0x4;
	s8 =	sshrl.u32 s6, $0x1;
	s9 =	smul.u32 $0x1800, s10  }
0xd: {  	_ =	strace $0x80000047;
	s11 =	sadd.s32 s7, s2;
	s13 =	ssub.s32 s6, s8  }
0xe: {  	v3 =	vlaneseq.u32;
	s6 =	sshll.u32 s10, $0x7;
	s10 =	sshll.u32 s10, $0x6;
	s7 =	sadd.s32 s0, s9  }
0xf: {  	v0 =	vimm.f32 $0.0e+00;
	vm0 =	vmmov $0xffff;
	v2 =	vshrl.u32 v3, $0x3;
	s8 =	sor.u32 $0x1000, s6;
	s9 =	sadd.s32 $0x1600, s11;
	s11 =	sadd.s32 $0x1900, s2  }
0x10: {  	v1 =	vand.u32 $0x7, v3;
	v3 =	vor.u32 $0x8, v3;
	v2 =	vmul.u32 $0x8, v2;
	s13 =	smax.u32 s13, $0x1;
	s0 =	simm.s32 $0x8900;
	s2 =	simm.s32 $0x9100  }
.LBB2_1:
0x11: {  	[tilespmem:s14], [sflag:$0x1] =	stream.linear.gather [hbm4b:s7+s1], $0xC000, $0x38;
	[tilespmem:$0xE100] =	vst v63  }
0x12: {  	_ = 	snop  }
0x13: {  	[tilespmem:s1], [sflag:$0x2] =	stream.linear.gather [hbm4b:s3+s1], $0x800, $0x38;
	[tilespmem:$0xE100] =	vst v63  }
0x14: {  	_ =	swait.ge [sflag:s15], $0x800  }
0x15: {  	[sflag:s15] =	ssyncset.done $0x0  }
0x16: {  	s29 =	simm.s32 $0x800;
	[sflag:s15] =	ssyncadd.s32 $0xFFFFF800  }
0x17: {  	[tilespmem:s29], [sflag:$0x2] =	stream.linear.gather [hbm4b:s4+s1], $0x800, $0x38;
	[tilespmem:$0xE100] =	vst v63  }
0x18: {  	_ =	swait.ge [sflag:s15], $0x800  }
0x19: {  	[sflag:s15] =	ssyncset.done $0x0  }
0x1a: {  	[sflag:s15] =	ssyncadd.s32 $0xFFFFF800  }
0x1b: {  	[tilespmem:s6+$0x1000] =	vst v0  }
0x1c: {  	[tilespmem:s6+$0x1010] =	vst v0  }
0x1d: {  	[tilespmem:s6+$0x1020] =	vst v0  }
0x1e: {  	[tilespmem:s6+$0x1030] =	vst v0  }
0x1f: {  	[tilespmem:s6+$0x1040] =	vst v0  }
0x20: {  	[tilespmem:s6+$0x1050] =	vst v0  }
0x21: {  	[tilespmem:s6+$0x1060] =	vst v0  }
0x22: {  	s29 =	simm.s32 $0x0;
	[tilespmem:s6+$0x1070] =	vst v0  }
.LBB2_2:
0x23: {  	s30 =	sshra.s32 s29, $0x2  }
0x24: {  	v4 =	vld [tilespmem:s30+$0x0];
	_ =	sdelay $0x2  }
0x25: {  	v5 =	vld [tilespmem:s30+$0x800];
	_ =	sdelay $0x4  }
0x26: {  	[tilespmem:v4+s17+$0x0] =	vst.idx.msk $0xffff, v5  }
0x27: {  	v4 =	vld [tilespmem:s30+$0x10];
	_ =	sdelay $0x2  }
0x28: {  	v5 =	vld [tilespmem:s30+$0x810];
	_ =	sdelay $0x4  }
0x29: {  	[tilespmem:v4+s17+$0x0] =	vst.idx.msk $0xffff, v5  }
0x2a: {  	v4 =	vld [tilespmem:s30+$0x20];
	_ =	sdelay $0x2  }
0x2b: {  	v5 =	vld [tilespmem:s30+$0x820];
	_ =	sdelay $0x4  }
0x2c: {  	[tilespmem:v4+s17+$0x0] =	vst.idx.msk $0xffff, v5  }
0x2d: {  	v4 =	vld [tilespmem:s30+$0x30];
	_ =	sdelay $0x2  }
0x2e: {  	p0 =	sne.s32 s29, $0x1F00;
	v5 =	vld [tilespmem:s30+$0x830]  }
.Ltmp0:
0x2f: {  	_ = 	snop;
	(pc) =	sbr.rel @p0 .LBB2_2-.Ltmp0, $2  }
0x30: {  	_ =	sdelay $0x2  }
0x31: {  	s29 =	sadd.s32 $0x100, s29;
	[tilespmem:v4+s17+$0x0] =	vst.idx.msk $0xffff, v5  }
0x32: {  	[hbm4b:s9+s1] =	stream.linear.scatter [tilespmem:s8], [sflag:$0x2], $0x80, $0x38;
	[tilespmem:$0xE100] =	vst v63  }
0x33: {  	_ =	swait.ge [sflag:s15], $0x80  }
0x34: {  	[sflag:s15] =	ssyncset.done $0x0  }
0x35: {  	[sflag:s15] =	ssyncadd.s32 $0xFFFFFF80  }
0x36: {  	v4 =	vld [tilespmem:s10+$0x0];
	_ =	sdelay $0x4  }
0x37: {  	[tilespmem:$0x2080] =	vst v4  }
0x38: {  	v5 =	vld [tilespmem:s10+$0x10];
	_ =	sdelay $0x4  }
0x39: {  	[tilespmem:$0x2090] =	vst v5  }
0x3a: {  	v5 =	vld [tilespmem:s10+$0x20];
	_ =	sdelay $0x3  }
0x3b: {  	v6 =	vshrl.u32 v4, $0x3  }
0x3c: {  	[tilespmem:$0x20A0] =	vst v5;
	v5 =	vmul.u32 $0x30, v6  }
0x3d: {  	v4 =	vand.u32 $0x7, v4;
	v63 =	vld [tilespmem:s10+$0x30]  }
0x3e: {  	v4 =	vor.u32 v4, v5  }
0x3f: {  	v5 =	vperm.xlane v4, v1;
	_ =	sdelay $0x1  }
0x40: {  	v5 =	vadd.s32 v2, v5  }
0x41: {  	[tilespmem:$0x20B0] =	vst v63  }
0x42: {  	_ =	swait.ge [sflag:s18], $0xC000  }
0x43: {  	[sflag:s18] =	ssyncset.done $0x0  }
0x44: {  	v4 =	vperm.xlane v4, v3;
	[sflag:s18] =	ssyncadd.s32 $0xFFFF4000  }
0x45: {  	[hbm4b:s5+s1] =	stream.indirect_vreg.scatter [tilespmem:s14], [sflag:$0x1], $0x80, v5, vm0, $0xb8;
	[tilespmem:$0xE100] =	vst v63  }
0x46: {  	s29 =	simm.s32 $0x2900;
	v4 =	vadd.s32 v2, v4  }
0x47: {  	[hbm4b:s11+s1] =	stream.indirect_vreg.scatter [tilespmem:s29], [sflag:$0x1], $0x80, v5, vm0, $0xb8;
	[tilespmem:$0xE100] =	vst v63  }
0x48: {  	s30 =	simm.s32 $0x3100  }
0x49: {  	[hbm4b:s12+s1] =	stream.indirect_vreg.scatter [tilespmem:s30], [sflag:$0x1], $0x80, v5, vm0, $0xb8;
	[tilespmem:$0xE100] =	vst v63  }
0x4a: {  	s30 =	simm.s32 $0x3900  }
0x4b: {  	[hbm4b:s5+s1] =	stream.indirect_vreg.scatter [tilespmem:s30], [sflag:$0x1], $0x80, v4, vm0, $0xb8;
	[tilespmem:$0xE100] =	vst v63  }
0x4c: {  	s30 =	simm.s32 $0x4100  }
0x4d: {  	[hbm4b:s11+s1] =	stream.indirect_vreg.scatter [tilespmem:s30], [sflag:$0x1], $0x80, v4, vm0, $0xb8;
	[tilespmem:$0xE100] =	vst v63  }
0x4e: {  	s30 =	simm.s32 $0x4900  }
0x4f: {  	[hbm4b:s12+s1] =	stream.indirect_vreg.scatter [tilespmem:s30], [sflag:$0x1], $0x80, v4, vm0, $0xb8;
	[tilespmem:$0xE100] =	vst v63  }
0x50: {  	v4 =	vld [tilespmem:$0x2090];
	_ =	sdelay $0x4  }
0x51: {  	v5 =	vshrl.u32 v4, $0x3  }
0x52: {  	v5 =	vmul.u32 $0x30, v5  }
0x53: {  	v4 =	vand.u32 $0x7, v4  }
0x54: {  	v4 =	vor.u32 v4, v5  }
0x55: {  	v5 =	vperm.xlane v4, v1;
	_ =	sdelay $0x1  }
0x56: {  	v5 =	vadd.s32 v2, v5;
	_ =	sdelay $0x3  }
0x57: {  	s30 =	simm.s32 $0x5100;
	v4 =	vperm.xlane v4, v3  }
0x58: {  	[hbm4b:s5+s1] =	stream.indirect_vreg.scatter [tilespmem:s30], [sflag:$0x1], $0x80, v5, vm0, $0xb8;
	[tilespmem:$0xE100] =	vst v63  }
0x59: {  	v4 =	vadd.s32 v2, v4;
	s30 =	simm.s32 $0x5900  }
0x5a: {  	[hbm4b:s11+s1] =	stream.indirect_vreg.scatter [tilespmem:s30], [sflag:$0x1], $0x80, v5, vm0, $0xb8;
	[tilespmem:$0xE100] =	vst v63  }
0x5b: {  	s30 =	simm.s32 $0x6100  }
0x5c: {  	[hbm4b:s12+s1] =	stream.indirect_vreg.scatter [tilespmem:s30], [sflag:$0x1], $0x80, v5, vm0, $0xb8;
	[tilespmem:$0xE100] =	vst v63  }
0x5d: {  	s30 =	simm.s32 $0x6900  }
0x5e: {  	[hbm4b:s5+s1] =	stream.indirect_vreg.scatter [tilespmem:s30], [sflag:$0x1], $0x80, v4, vm0, $0xb8;
	[tilespmem:$0xE100] =	vst v63  }
0x5f: {  	s30 =	simm.s32 $0x7100  }
0x60: {  	[hbm4b:s11+s1] =	stream.indirect_vreg.scatter [tilespmem:s30], [sflag:$0x1], $0x80, v4, vm0, $0xb8;
	[tilespmem:$0xE100] =	vst v63  }
0x61: {  	s30 =	simm.s32 $0x7900  }
0x62: {  	[hbm4b:s12+s1] =	stream.indirect_vreg.scatter [tilespmem:s30], [sflag:$0x1], $0x80, v4, vm0, $0xb8;
	[tilespmem:$0xE100] =	vst v63  }
0x63: {  	v4 =	vld [tilespmem:$0x20A0];
	_ =	sdelay $0x4  }
0x64: {  	v5 =	vshrl.u32 v4, $0x3  }
0x65: {  	v5 =	vmul.u32 $0x30, v5  }
0x66: {  	v4 =	vand.u32 $0x7, v4  }
0x67: {  	v4 =	vor.u32 v4, v5  }
0x68: {  	v5 =	vperm.xlane v4, v1;
	_ =	sdelay $0x1  }
0x69: {  	v5 =	vadd.s32 v2, v5;
	_ =	sdelay $0x3  }
0x6a: {  	v4 =	vperm.xlane v4, v3  }
0x6b: {  	[hbm4b:s5+s1] =	stream.indirect_vreg.scatter [tilespmem:s31], [sflag:$0x1], $0x80, v5, vm0, $0xb8;
	[tilespmem:$0xE100] =	vst v63  }
0x6c: {  	v4 =	vadd.s32 v2, v4  }
0x6d: {  	[hbm4b:s11+s1] =	stream.indirect_vreg.scatter [tilespmem:s0], [sflag:$0x1], $0x80, v5, vm0, $0xb8;
	[tilespmem:$0xE100] =	vst v63  }
0x6e: {  	_ = 	snop  }
0x6f: {  	[hbm4b:s12+s1] =	stream.indirect_vreg.scatter [tilespmem:s2], [sflag:$0x1], $0x80, v5, vm0, $0xb8;
	[tilespmem:$0xE100] =	vst v63  }
0x70: {  	_ = 	snop  }
0x71: {  	[hbm4b:s5+s1] =	stream.indirect_vreg.scatter [tilespmem:s16], [sflag:$0x1], $0x80, v4, vm0, $0xb8;
	[tilespmem:$0xE100] =	vst v63  }
0x72: {  	_ = 	snop  }
0x73: {  	[hbm4b:s11+s1] =	stream.indirect_vreg.scatter [tilespmem:s19], [sflag:$0x1], $0x80, v4, vm0, $0xb8;
	[tilespmem:$0xE100] =	vst v63  }
0x74: {  	_ = 	snop  }
0x75: {  	[hbm4b:s12+s1] =	stream.indirect_vreg.scatter [tilespmem:s20], [sflag:$0x1], $0x80, v4, vm0, $0xb8;
	[tilespmem:$0xE100] =	vst v63  }
0x76: {  	v4 =	vld [tilespmem:$0x20B0];
	_ =	sdelay $0x4  }
0x77: {  	v5 =	vshrl.u32 v4, $0x3  }
0x78: {  	v5 =	vmul.u32 $0x30, v5  }
0x79: {  	v4 =	vand.u32 $0x7, v4  }
0x7a: {  	v4 =	vor.u32 v4, v5  }
0x7b: {  	v5 =	vperm.xlane v4, v1;
	_ =	sdelay $0x1  }
0x7c: {  	v5 =	vadd.s32 v2, v5;
	_ =	sdelay $0x3  }
0x7d: {  	v4 =	vperm.xlane v4, v3  }
0x7e: {  	[hbm4b:s5+s1] =	stream.indirect_vreg.scatter [tilespmem:s21], [sflag:$0x1], $0x80, v5, vm0, $0xb8;
	[tilespmem:$0xE100] =	vst v63  }
0x7f: {  	v4 =	vadd.s32 v2, v4  }
0x80: {  	[hbm4b:s11+s1] =	stream.indirect_vreg.scatter [tilespmem:s22], [sflag:$0x1], $0x80, v5, vm0, $0xb8;
	[tilespmem:$0xE100] =	vst v63  }
0x81: {  	_ = 	snop  }
0x82: {  	[hbm4b:s12+s1] =	stream.indirect_vreg.scatter [tilespmem:s23], [sflag:$0x1], $0x80, v5, vm0, $0xb8;
	[tilespmem:$0xE100] =	vst v63  }
0x83: {  	s28 =	sadd.s32 $0x1, s28  }
0x84: {  	[hbm4b:s5+s1] =	stream.indirect_vreg.scatter [tilespmem:s24], [sflag:$0x1], $0x80, v4, vm0, $0xb8;
	[tilespmem:$0xE100] =	vst v63  }
0x85: {  	p0 =	sne.s32 s28, s13  }
0x86: {  	[hbm4b:s11+s1] =	stream.indirect_vreg.scatter [tilespmem:s25], [sflag:$0x1], $0x80, v4, vm0, $0xb8;
	[tilespmem:$0xE100] =	vst v63  }
.Ltmp1:
0x87: {  	_ = 	snop;
	(pc) =	sbr.rel @p0 .LBB2_1-.Ltmp1, $4  }
0x88: {  	[hbm4b:s12+s1] =	stream.indirect_vreg.scatter [tilespmem:s26], [sflag:$0x1], $0x80, v4, vm0, $0xb8;
	[tilespmem:$0xE100] =	vst v63  }
0x89: {  	_ =	swait.ge [sflag:s18], $0xC000  }
0x8a: {  	[sflag:s18] =	ssyncset.done $0x0  }
0x8b: {  	[sflag:s18] =	ssyncadd.s32 $0xFFFF4000  }
0x8c: {  	_ =	sfence.sel $0x180000  }
0x8d: {  	[bflag:$0x0] =	sbarrier.arrive $0xFFFF  }
0x8e: {  	_ =	strace $0x90000047  }
0x8f: {  	s0 =	stileid.u32;
	[bflag:$0x2] =	sbarrier.arrive $0xFFFF  }
0x90: {  	p0 =	sne.s32 s0, $0x0;
	s0 =	rddreg [dreg:$0x2]  }
0x91: {  	s0 =	sadd.s32 @!p0 $0x100000, s0  }
0x92: {  	[sflag:s0] =	ssyncadd.tile.s32 @!p0 $0x1;
	_ =	shalt  }
.Lfunc_end2:
_tile_overlayer_lowered:
.L_overlay_start_2:
0x93: {  	(tag) =	ssettag $0x2  }
0x94: {  	s0 =	rddreg [dreg:$0x0];
	s2 =	stileid.u32  }
0x95: {  	s1 =	rddreg [dreg:$0x1];
	p0 =	sne.s32 s2, $0x0  }
0x96: {  	s3 =	rddreg [dreg:$0x2];
	[bflag:$0x3] =	sbarrier.arrive $0xFFFF;
	s2 =	simm.s32 @!p0 $0x1C02  }
0x97: {  	[timem:s3], [sflag:s2] =	dma.local @!p0 [hbm:s0], s1  }
0x98: {  	s0 =	simm.s32 @!p0 $0x2  }
0x99: {  	_ =	swait.ge @!p0 [sflag:s0], s1  }
0x9a: {  	s1 =	ssub.s32 @!p0 $0x0, s1;
	[sflag:s0] =	ssyncset.done @!p0 $0x0  }
0x9b: {  	[sflag:s0] =	ssyncadd.s32 @!p0 s1  }
0x9c: {  	[bflag:$0x3] =	sbarrier.arrive $0xFFFF  }
0x9d: {  	_ =	shalt  }

</sc_bundles>
